<compile_context>
chip_gen: v7x
topology: tpu7x:2x2x1
jax: 0.10.2.dev20260603
libtpu: 0.0.44.dev20260713+nightly
codegen_flags: <defaults>
</compile_context>

<pallas_src>
import functools

import jax
import jax.numpy as jnp
from jax import lax
from jax.experimental import pallas as pl
from jax.experimental.pallas import tpu as pltpu
from jax.experimental.pallas import tpu_sc as plsc

EMB = 64
PACK = 2 * EMB
IDX_CHUNK = 128

G = 8192


def _quad_body(t_ref, out_ref):
    t = t_ref[...].astype(jnp.bfloat16).T
    y = jnp.concatenate([t[: 2 * G], t[2 * G:]], axis=1)
    out_ref[...] = pltpu.bitcast(y, jnp.float32)


def _quad_table(tt):
    n = tt.shape[1]
    nb = (n + 4 * G - 1) // (4 * G)
    return pl.pallas_call(
        _quad_body,
        grid=(nb,),
        in_specs=[pl.BlockSpec((EMB, 4 * G), lambda i: (0, i))],
        out_specs=pl.BlockSpec((G, PACK), lambda i: (i, 0)),
        out_shape=jax.ShapeDtypeStruct((nb * G, PACK), jnp.float32),
    )(tt)


def _make_gather(B):
    info = plsc.get_sparse_core_info()
    NC, NS = info.num_cores, info.num_subcores
    NW = NC * NS
    b_per_w = B // NW
    n_chunks = b_per_w // IDX_CHUNK
    mesh = plsc.VectorSubcoreMesh(core_axis_name="c", subcore_axis_name="s")

    @functools.partial(
        pl.kernel,
        mesh=mesh,
        out_type=[
            jax.ShapeDtypeStruct((B, PACK), jnp.float32),
            jax.ShapeDtypeStruct((B, PACK), jnp.float32),
        ],
        scratch_types=[
            pltpu.VMEM((b_per_w,), jnp.int32),
            pltpu.VMEM((b_per_w,), jnp.int32),
            pltpu.VMEM((2, IDX_CHUNK, PACK), jnp.float32),
            pltpu.VMEM((2, IDX_CHUNK, PACK), jnp.float32),
            pltpu.SemaphoreType.DMA,
            pltpu.SemaphoreType.DMA,
            pltpu.SemaphoreType.DMA,
            pltpu.SemaphoreType.DMA,
        ],
    )
    def gather_k(uidx_h, midx_h, ut_h, mt_h, uw_out, mw_out,
                 uidx_v, midx_v, ubuf, mbuf, su0, su1, sm0, sm1):
        wid = lax.axis_index("s") * NC + lax.axis_index("c")
        base = wid * b_per_w
        pltpu.sync_copy(uidx_h.at[pl.ds(base, b_per_w)], uidx_v)
        pltpu.sync_copy(midx_h.at[pl.ds(base, b_per_w)], midx_v)
        sems_u = (su0, su1)
        sems_m = (sm0, sm1)

        def start(c):
            slot = c % 2
            sl = pl.ds(c * IDX_CHUNK, IDX_CHUNK)
            cu = pltpu.async_copy(ut_h.at[uidx_v.at[sl]], ubuf.at[slot],
                                  sems_u[slot])
            cm = pltpu.async_copy(mt_h.at[midx_v.at[sl]], mbuf.at[slot],
                                  sems_m[slot])
            return cu, cm

        pend = start(0)
        for c in range(n_chunks):
            slot = c % 2
            cu, cm = pend
            if c + 1 < n_chunks:
                pend = start(c + 1)
            osl = pl.ds(base + c * IDX_CHUNK, IDX_CHUNK)
            cu.wait()
            pltpu.sync_copy(ubuf.at[slot], uw_out.at[osl])
            cm.wait()
            pltpu.sync_copy(mbuf.at[slot], mw_out.at[osl])

    return gather_k


def _unpack(w_ref, p_ref, h_ref):
    blk = w_ref.shape[0]
    x = pltpu.bitcast(w_ref[...], jnp.bfloat16)
    x = x.reshape(blk, 2, PACK).astype(jnp.float32)
    a = x[:, 0, :]
    b = x[:, 1, :]
    s = a + p_ref[...] * (b - a)
    return s[:, :EMB] + h_ref[...] * (s[:, EMB:] - s[:, :EMB])


def _mlp_body(uw_ref, mw_ref, pu_ref, hu_ref, pm_ref, hm_ref,
              w1u_ref, w1m_ref, b1_ref, w2_ref, b2_ref, w3_ref, b3_ref,
              out_ref):
    ue = _unpack(uw_ref, pu_ref, hu_ref)
    me = _unpack(mw_ref, pm_ref, hm_ref)
    h = jnp.dot(ue, w1u_ref[...], preferred_element_type=jnp.float32)
    h = h + jnp.dot(me, w1m_ref[...], preferred_element_type=jnp.float32)
    h = jnp.maximum(h + b1_ref[...], 0.0)
    h = jnp.dot(h, w2_ref[...], preferred_element_type=jnp.float32)
    h = jnp.maximum(h + b2_ref[...], 0.0)
    o = jnp.sum(h * w3_ref[...], axis=1) + b3_ref[0, 0]
    out_ref[...] = o[None, :]


def _mlp(uw, mw, pu, hu, pm, hm, w1u, w1m, b1, w2, b2, w3row, b3,
         blk=2048):
    B = uw.shape[0]
    grid = (B // blk,)
    const = lambda i: (0, 0)
    return pl.pallas_call(
        _mlp_body,
        grid=grid,
        in_specs=[
            pl.BlockSpec((blk, PACK), lambda i: (i, 0)),
            pl.BlockSpec((blk, PACK), lambda i: (i, 0)),
            pl.BlockSpec((blk, 1), lambda i: (i, 0)),
            pl.BlockSpec((blk, 1), lambda i: (i, 0)),
            pl.BlockSpec((blk, 1), lambda i: (i, 0)),
            pl.BlockSpec((blk, 1), lambda i: (i, 0)),
            pl.BlockSpec((EMB, 128), const),
            pl.BlockSpec((EMB, 128), const),
            pl.BlockSpec((1, 128), const),
            pl.BlockSpec((128, 64), const),
            pl.BlockSpec((1, 64), const),
            pl.BlockSpec((1, 64), const),
            pl.BlockSpec((1, 1), const),
        ],
        out_specs=pl.BlockSpec((1, blk), lambda i: (0, i)),
        out_shape=jax.ShapeDtypeStruct((1, B), jnp.float32),
    )(uw, mw, pu, hu, pm, hm, w1u, w1m, b1, w2, b2, w3row, b3)


def _quad_index(i32):
    row = (i32 // (4 * G)) * G + ((i32 & (2 * G - 1)) >> 1)
    p = (i32 & 1).astype(jnp.float32)
    h = ((i32 // (2 * G)) & 1).astype(jnp.float32)
    B = i32.shape[0]
    return row, p.reshape(B, 1), h.reshape(B, 1)


def kernel(users, movies, user_table, movie_table, W1, b1, W2, b2, W3, b3):
    B = users.shape[0]
    u32 = users.astype(jnp.int32)
    m32 = movies.astype(jnp.int32)
    ut4 = _quad_table(user_table.T)
    mt4 = _quad_table(movie_table.T)
    gather_k = _make_gather(B)
    urow, pu, hu = _quad_index(u32)
    mrow, pm, hm = _quad_index(m32)
    uw, mw = gather_k(urow, mrow, ut4, mt4)
    out = _mlp(uw, mw, pu, hu, pm, hm, W1[:EMB], W1[EMB:],
               b1.reshape(1, -1), W2, b2.reshape(1, -1), W3.reshape(1, -1),
               b3.reshape(1, 1))
    return out.reshape(B)

# --- scband reference (transcript-rebuilt; emitter-appended) ---
"""Pipeline reference for scband-improved-recommendation-model-42786464203282 (READ-ONLY COPY).

The authoritative reference and input builder live on the scoring server;
editing this copy changes nothing except your own understanding.
"""

import jax, jax.numpy as jnp
import numpy as np

NUM_USERS = 1000000
NUM_MOVIES = 100000
EMB = 64
BATCH = 16384

def setup_inputs(seed: int = 0) -> dict:
    key = jax.random.key(seed)
    ks = jax.random.split(key, 12)
    users = jax.random.randint(ks[0], (BATCH,), 0, NUM_USERS, dtype=jnp.int64 if jax.config.jax_enable_x64 else jnp.int32)
    movies = jax.random.randint(ks[1], (BATCH,), 0, NUM_MOVIES, dtype=jnp.int64 if jax.config.jax_enable_x64 else jnp.int32)
    user_table = jax.random.normal(ks[2], (NUM_USERS, EMB), dtype=jnp.float32) * 0.05
    movie_table = jax.random.normal(ks[3], (NUM_MOVIES, EMB), dtype=jnp.float32) * 0.05
    W1 = jax.random.normal(ks[4], (EMB * 2, 128), dtype=jnp.float32) * (1.0 / np.sqrt(EMB * 2))
    b1 = jnp.zeros((128,), dtype=jnp.float32)
    W2 = jax.random.normal(ks[5], (128, 64), dtype=jnp.float32) * (1.0 / np.sqrt(128))
    b2 = jnp.zeros((64,), dtype=jnp.float32)
    W3 = jax.random.normal(ks[6], (64, 1), dtype=jnp.float32) * (1.0 / np.sqrt(64))
    b3 = jnp.zeros((1,), dtype=jnp.float32)
    return {"users": users, "movies": movies, "user_table": user_table, "movie_table": movie_table,
            "W1": W1, "b1": b1, "W2": W2, "b2": b2, "W3": W3, "b3": b3}

def reference(users, movies, user_table, movie_table, W1, b1, W2, b2, W3, b3):
    # embedding lookups (gathers)
    user_emb = jnp.take(user_table, users, axis=0)
    movie_emb = jnp.take(movie_table, movies, axis=0)
    combined = jnp.concatenate([user_emb, movie_emb], axis=1)
    # MLP (dropout is identity in eval mode)
    h = jnp.maximum(combined @ W1 + b1, 0.0)
    h = jnp.maximum(h @ W2 + b2, 0.0)
    out = h @ W3 + b3
    return jnp.squeeze(out, axis=-1)

if __name__ == "__main__":
    import jax
    _d = setup_inputs()
    print(jax.jit(kernel)(*tuple(_d.values())))

</pallas_src>

<mosaic_0001>
#map = affine_map<(d0, d1) -> (0)>
#map1 = affine_map<(d0, d1) -> (0, 0)>
module attributes {stable_mosaic.version = 14 : i64} {
  func.func @gather_k(%arg0: i32, %arg1: i32, %arg2: memref<16384xi32, #tpu.memory_space<hbm>>, %arg3: memref<16384xi32, #tpu.memory_space<hbm>>, %arg4: memref<253952x128xf32, #tpu.memory_space<hbm>>, %arg5: memref<32768x128xf32, #tpu.memory_space<hbm>>, %arg6: memref<16384x128xf32, #tpu.memory_space<hbm>>, %arg7: memref<16384x128xf32, #tpu.memory_space<hbm>>, %arg8: memref<512xi32, #tpu.memory_space<vmem>>, %arg9: memref<512xi32, #tpu.memory_space<vmem>>, %arg10: memref<2x128x128xf32, #tpu.memory_space<vmem>>, %arg11: memref<2x128x128xf32, #tpu.memory_space<vmem>>, %arg12: memref<!tpu.dma_semaphore, #tpu.memory_space<semaphore_mem>>, %arg13: memref<!tpu.dma_semaphore, #tpu.memory_space<semaphore_mem>>, %arg14: memref<!tpu.dma_semaphore, #tpu.memory_space<semaphore_mem>>, %arg15: memref<!tpu.dma_semaphore, #tpu.memory_space<semaphore_mem>>) attributes {dimension_semantics = [#tpu.dimension_semantics<core_parallel>, #tpu.dimension_semantics<subcore_parallel>], iteration_bounds = array<i64: 2, 16>, scalar_prefetch = 0 : i64, scratch_operands = 8 : i64, tpu.core_type = #tpu.core_type<sc_vector_subcore>, window_params = [{transform_indices = #map}, {transform_indices = #map}, {transform_indices = #map1}, {transform_indices = #map1}, {transform_indices = #map1}, {transform_indices = #map1}]} {
    %mul3A = arith.constant 2 : i32
    %mul3A_0 = arith.muli %arg1, %mul3A : i32
    %add3A = arith.addi %mul3A_0, %arg0 : i32
    %mul3A_1 = arith.constant 512 : i32
    %mul3A_2 = arith.muli %add3A, %mul3A_1 : i32
    "tpu.region"() ({
      %run_scoped3A_176 = tpu.sem_alloc : memref<!tpu.dma_semaphore, #tpu.memory_space<semaphore_mem>>
      %dma_start3A_177 = tpu.memref_slice %arg2[%mul3A_2] : memref<16384xi32, #tpu.memory_space<hbm>> -> memref<512xi32, #tpu.memory_space<hbm>>
      %dma_start3A_178 = tpu.memref_slice %arg2[%mul3A_2] : memref<16384xi32, #tpu.memory_space<hbm>> -> memref<512xi32, #tpu.memory_space<hbm>>
      tpu.enqueue_dma source(%dma_start3A_178 : memref<512xi32, #tpu.memory_space<hbm>>) target(%arg8 : memref<512xi32, #tpu.memory_space<vmem>>) target_semaphore(%run_scoped3A_176 : memref<!tpu.dma_semaphore, #tpu.memory_space<semaphore_mem>>)
      %dma_wait3A_179 = tpu.memref_slice %arg2[%mul3A_2] : memref<16384xi32, #tpu.memory_space<hbm>> -> memref<512xi32, #tpu.memory_space<hbm>>
      %dma_wait3A_180 = tpu.memref_slice %arg2[%mul3A_2] : memref<16384xi32, #tpu.memory_space<hbm>> -> memref<512xi32, #tpu.memory_space<hbm>>
      tpu.wait_dma2 semaphore(%run_scoped3A_176 : memref<!tpu.dma_semaphore, #tpu.memory_space<semaphore_mem>>) src(%dma_wait3A_180 : memref<512xi32, #tpu.memory_space<hbm>>) dst(%arg8 : memref<512xi32, #tpu.memory_space<vmem>>)
      tpu.yield
    }) : () -> ()
    "tpu.region"() ({
      %run_scoped3A_176 = tpu.sem_alloc : memref<!tpu.dma_semaphore, #tpu.memory_space<semaphore_mem>>
      %dma_start3A_177 = tpu.memref_slice %arg3[%mul3A_2] : memref<16384xi32, #tpu.memory_space<hbm>> -> memref<512xi32, #tpu.memory_space<hbm>>
      %dma_start3A_178 = tpu.memref_slice %arg3[%mul3A_2] : memref<16384xi32, #tpu.memory_space<hbm>> -> memref<512xi32, #tpu.memory_space<hbm>>
      tpu.enqueue_dma source(%dma_start3A_178 : memref<512xi32, #tpu.memory_space<hbm>>) target(%arg9 : memref<512xi32, #tpu.memory_space<vmem>>) target_semaphore(%run_scoped3A_176 : memref<!tpu.dma_semaphore, #tpu.memory_space<semaphore_mem>>)
      %dma_wait3A_179 = tpu.memref_slice %arg3[%mul3A_2] : memref<16384xi32, #tpu.memory_space<hbm>> -> memref<512xi32, #tpu.memory_space<hbm>>
      %dma_wait3A_180 = tpu.memref_slice %arg3[%mul3A_2] : memref<16384xi32, #tpu.memory_space<hbm>> -> memref<512xi32, #tpu.memory_space<hbm>>
      tpu.wait_dma2 semaphore(%run_scoped3A_176 : memref<!tpu.dma_semaphore, #tpu.memory_space<semaphore_mem>>) src(%dma_wait3A_180 : memref<512xi32, #tpu.memory_space<hbm>>) dst(%arg9 : memref<512xi32, #tpu.memory_space<vmem>>)
      tpu.yield
    }) : () -> ()
    %dma_start3A = arith.constant 0 : i32
    %dma_start3A_3 = arith.constant 0 : i32
    %dma_start3A_4 = arith.constant 0 : i32
    %dma_start3A_5 = tpu.memref_slice %arg10[%dma_start3A, %dma_start3A_3, %dma_start3A_4] : memref<2x128x128xf32, #tpu.memory_space<vmem>> -> memref<1x128x128xf32, #tpu.memory_space<vmem>>
    %dma_start3A_6 = tpu.memref_squeeze %dma_start3A_5 : memref<1x128x128xf32, #tpu.memory_space<vmem>> -> memref<128x128xf32, #tpu.memory_space<vmem>>
    %dma_start3A_7 = arith.constant 0 : i32
    %dma_start3A_8 = tpu.memref_slice %arg8[%dma_start3A_7] : memref<512xi32, #tpu.memory_space<vmem>> -> memref<128xi32, #tpu.memory_space<vmem>>
    %dma_start3A_9 = arith.constant 0 : i32
    %dma_start3A_10 = arith.constant 0 : i32
    %dma_start3A_11 = tpu.memref_slice %arg4[%dma_start3A_9, %dma_start3A_10] : memref<253952x128xf32, #tpu.memory_space<hbm>> -> memref<253952x128xf32, #tpu.memory_space<hbm>>
    tpu.enqueue_indirect_dma source(%dma_start3A_11 : memref<253952x128xf32, #tpu.memory_space<hbm>>) target(%dma_start3A_6 : memref<128x128xf32, #tpu.memory_space<vmem>>) offsets(%dma_start3A_8 : memref<128xi32, #tpu.memory_space<vmem>>) semaphore(%arg12 : memref<!tpu.dma_semaphore, #tpu.memory_space<semaphore_mem>>)
    %dma_start3A_12 = arith.constant 0 : i32
    %dma_start3A_13 = arith.constant 0 : i32
    %dma_start3A_14 = arith.constant 0 : i32
    %dma_start3A_15 = tpu.memref_slice %arg11[%dma_start3A_12, %dma_start3A_13, %dma_start3A_14] : memref<2x128x128xf32, #tpu.memory_space<vmem>> -> memref<1x128x128xf32, #tpu.memory_space<vmem>>
    %dma_start3A_16 = tpu.memref_squeeze %dma_start3A_15 : memref<1x128x128xf32, #tpu.memory_space<vmem>> -> memref<128x128xf32, #tpu.memory_space<vmem>>
    %dma_start3A_17 = arith.constant 0 : i32
    %dma_start3A_18 = tpu.memref_slice %arg9[%dma_start3A_17] : memref<512xi32, #tpu.memory_space<vmem>> -> memref<128xi32, #tpu.memory_space<vmem>>
    %dma_start3A_19 = arith.constant 0 : i32
    %dma_start3A_20 = arith.constant 0 : i32
    %dma_start3A_21 = tpu.memref_slice %arg5[%dma_start3A_19, %dma_start3A_20] : memref<32768x128xf32, #tpu.memory_space<hbm>> -> memref<32768x128xf32, #tpu.memory_space<hbm>>
    tpu.enqueue_indirect_dma source(%dma_start3A_21 : memref<32768x128xf32, #tpu.memory_space<hbm>>) target(%dma_start3A_16 : memref<128x128xf32, #tpu.memory_space<vmem>>) offsets(%dma_start3A_18 : memref<128xi32, #tpu.memory_space<vmem>>) semaphore(%arg14 : memref<!tpu.dma_semaphore, #tpu.memory_space<semaphore_mem>>)
    %dma_start3A_22 = arith.constant 1 : i32
    %dma_start3A_23 = arith.constant 0 : i32
    %dma_start3A_24 = arith.constant 0 : i32
    %dma_start3A_25 = tpu.memref_slice %arg10[%dma_start3A_22, %dma_start3A_23, %dma_start3A_24] : memref<2x128x128xf32, #tpu.memory_space<vmem>> -> memref<1x128x128xf32, #tpu.memory_space<vmem>>
    %dma_start3A_26 = tpu.memref_squeeze %dma_start3A_25 : memref<1x128x128xf32, #tpu.memory_space<vmem>> -> memref<128x128xf32, #tpu.memory_space<vmem>>
    %dma_start3A_27 = arith.constant 128 : i32
    %dma_start3A_28 = tpu.memref_slice %arg8[%dma_start3A_27] : memref<512xi32, #tpu.memory_space<vmem>> -> memref<128xi32, #tpu.memory_space<vmem>>
    %dma_start3A_29 = arith.constant 0 : i32
    %dma_start3A_30 = arith.constant 0 : i32
    %dma_start3A_31 = tpu.memref_slice %arg4[%dma_start3A_29, %dma_start3A_30] : memref<253952x128xf32, #tpu.memory_space<hbm>> -> memref<253952x128xf32, #tpu.memory_space<hbm>>
    tpu.enqueue_indirect_dma source(%dma_start3A_31 : memref<253952x128xf32, #tpu.memory_space<hbm>>) target(%dma_start3A_26 : memref<128x128xf32, #tpu.memory_space<vmem>>) offsets(%dma_start3A_28 : memref<128xi32, #tpu.memory_space<vmem>>) semaphore(%arg13 : memref<!tpu.dma_semaphore, #tpu.memory_space<semaphore_mem>>)
    %dma_start3A_32 = arith.constant 1 : i32
    %dma_start3A_33 = arith.constant 0 : i32
    %dma_start3A_34 = arith.constant 0 : i32
    %dma_start3A_35 = tpu.memref_slice %arg11[%dma_start3A_32, %dma_start3A_33, %dma_start3A_34] : memref<2x128x128xf32, #tpu.memory_space<vmem>> -> memref<1x128x128xf32, #tpu.memory_space<vmem>>
    %dma_start3A_36 = tpu.memref_squeeze %dma_start3A_35 : memref<1x128x128xf32, #tpu.memory_space<vmem>> -> memref<128x128xf32, #tpu.memory_space<vmem>>
    %dma_start3A_37 = arith.constant 128 : i32
    %dma_start3A_38 = tpu.memref_slice %arg9[%dma_start3A_37] : memref<512xi32, #tpu.memory_space<vmem>> -> memref<128xi32, #tpu.memory_space<vmem>>
    %dma_start3A_39 = arith.constant 0 : i32
    %dma_start3A_40 = arith.constant 0 : i32
    %dma_start3A_41 = tpu.memref_slice %arg5[%dma_start3A_39, %dma_start3A_40] : memref<32768x128xf32, #tpu.memory_space<hbm>> -> memref<32768x128xf32, #tpu.memory_space<hbm>>
    tpu.enqueue_indirect_dma source(%dma_start3A_41 : memref<32768x128xf32, #tpu.memory_space<hbm>>) target(%dma_start3A_36 : memref<128x128xf32, #tpu.memory_space<vmem>>) offsets(%dma_start3A_38 : memref<128xi32, #tpu.memory_space<vmem>>) semaphore(%arg15 : memref<!tpu.dma_semaphore, #tpu.memory_space<semaphore_mem>>)
    %add3A_42 = arith.constant 0 : i32
    %add3A_43 = arith.addi %mul3A_2, %add3A_42 : i32
    %dma_wait3A = arith.constant 0 : i32
    %dma_wait3A_44 = arith.constant 0 : i32
    %dma_wait3A_45 = arith.constant 0 : i32
    %dma_wait3A_46 = tpu.memref_slice %arg10[%dma_wait3A, %dma_wait3A_44, %dma_wait3A_45] : memref<2x128x128xf32, #tpu.memory_space<vmem>> -> memref<1x128x128xf32, #tpu.memory_space<vmem>>
    %dma_wait3A_47 = tpu.memref_squeeze %dma_wait3A_46 : memref<1x128x128xf32, #tpu.memory_space<vmem>> -> memref<128x128xf32, #tpu.memory_space<vmem>>
    %dma_wait3A_48 = arith.constant 0 : i32
    %dma_wait3A_49 = tpu.memref_slice %arg8[%dma_wait3A_48] : memref<512xi32, #tpu.memory_space<vmem>> -> memref<128xi32, #tpu.memory_space<vmem>>
    %dma_wait3A_50 = arith.constant 0 : i32
    %dma_wait3A_51 = arith.constant 0 : i32
    %dma_wait3A_52 = tpu.memref_slice %arg4[%dma_wait3A_50, %dma_wait3A_51] : memref<253952x128xf32, #tpu.memory_space<hbm>> -> memref<253952x128xf32, #tpu.memory_space<hbm>>
    tpu.wait_indirect_dma semaphore(%arg12 : memref<!tpu.dma_semaphore, #tpu.memory_space<semaphore_mem>>) src(%dma_wait3A_52 : memref<253952x128xf32, #tpu.memory_space<hbm>>) dst(%dma_wait3A_47 : memref<128x128xf32, #tpu.memory_space<vmem>>)
    %run_scoped3A = arith.constant 0 : i32
    "tpu.region"() ({
      %run_scoped3A_176 = tpu.sem_alloc : memref<!tpu.dma_semaphore, #tpu.memory_space<semaphore_mem>>
      %dma_start3A_177 = arith.constant 0 : i32
      %dma_start3A_178 = arith.constant 0 : i32
      %dma_start3A_179 = tpu.memref_slice %arg10[%run_scoped3A, %dma_start3A_177, %dma_start3A_178] : memref<2x128x128xf32, #tpu.memory_space<vmem>> -> memref<1x128x128xf32, #tpu.memory_space<vmem>>
      %dma_start3A_180 = tpu.memref_squeeze %dma_start3A_179 : memref<1x128x128xf32, #tpu.memory_space<vmem>> -> memref<128x128xf32, #tpu.memory_space<vmem>>
      %dma_start3A_181 = arith.constant 0 : i32
      %dma_start3A_182 = tpu.memref_slice %arg6[%add3A_43, %dma_start3A_181] : memref<16384x128xf32, #tpu.memory_space<hbm>> -> memref<128x128xf32, #tpu.memory_space<hbm>>
      %dma_start3A_183 = arith.constant 0 : i32
      %dma_start3A_184 = tpu.memref_slice %arg6[%add3A_43, %dma_start3A_183] : memref<16384x128xf32, #tpu.memory_space<hbm>> -> memref<128x128xf32, #tpu.memory_space<hbm>>
      %dma_start3A_185 = arith.constant 0 : i32
      %dma_start3A_186 = arith.constant 0 : i32
      %dma_start3A_187 = tpu.memref_slice %arg10[%run_scoped3A, %dma_start3A_185, %dma_start3A_186] : memref<2x128x128xf32, #tpu.memory_space<vmem>> -> memref<1x128x128xf32, #tpu.memory_space<vmem>>
      %dma_start3A_188 = tpu.memref_squeeze %dma_start3A_187 : memref<1x128x128xf32, #tpu.memory_space<vmem>> -> memref<128x128xf32, #tpu.memory_space<vmem>>
      tpu.enqueue_dma source(%dma_start3A_188 : memref<128x128xf32, #tpu.memory_space<vmem>>) target(%dma_start3A_184 : memref<128x128xf32, #tpu.memory_space<hbm>>) target_semaphore(%run_scoped3A_176 : memref<!tpu.dma_semaphore, #tpu.memory_space<semaphore_mem>>)
      %dma_wait3A_189 = arith.constant 0 : i32
      %dma_wait3A_190 = arith.constant 0 : i32
      %dma_wait3A_191 = tpu.memref_slice %arg10[%run_scoped3A, %dma_wait3A_189, %dma_wait3A_190] : memref<2x128x128xf32, #tpu.memory_space<vmem>> -> memref<1x128x128xf32, #tpu.memory_space<vmem>>
      %dma_wait3A_192 = tpu.memref_squeeze %dma_wait3A_191 : memref<1x128x128xf32, #tpu.memory_space<vmem>> -> memref<128x128xf32, #tpu.memory_space<vmem>>
      %dma_wait3A_193 = arith.constant 0 : i32
      %dma_wait3A_194 = tpu.memref_slice %arg6[%add3A_43, %dma_wait3A_193] : memref<16384x128xf32, #tpu.memory_space<hbm>> -> memref<128x128xf32, #tpu.memory_space<hbm>>
      %dma_wait3A_195 = arith.constant 0 : i32
      %dma_wait3A_196 = tpu.memref_slice %arg6[%add3A_43, %dma_wait3A_195] : memref<16384x128xf32, #tpu.memory_space<hbm>> -> memref<128x128xf32, #tpu.memory_space<hbm>>
      %dma_wait3A_197 = arith.constant 0 : i32
      %dma_wait3A_198 = arith.constant 0 : i32
      %dma_wait3A_199 = tpu.memref_slice %arg10[%run_scoped3A, %dma_wait3A_197, %dma_wait3A_198] : memref<2x128x128xf32, #tpu.memory_space<vmem>> -> memref<1x128x128xf32, #tpu.memory_space<vmem>>
      %dma_wait3A_200 = tpu.memref_squeeze %dma_wait3A_199 : memref<1x128x128xf32, #tpu.memory_space<vmem>> -> memref<128x128xf32, #tpu.memory_space<vmem>>
      tpu.wait_dma2 semaphore(%run_scoped3A_176 : memref<!tpu.dma_semaphore, #tpu.memory_space<semaphore_mem>>) src(%dma_wait3A_200 : memref<128x128xf32, #tpu.memory_space<vmem>>) dst(%dma_wait3A_196 : memref<128x128xf32, #tpu.memory_space<hbm>>)
      tpu.yield
    }) : () -> ()
    %dma_wait3A_53 = arith.constant 0 : i32
    %dma_wait3A_54 = arith.constant 0 : i32
    %dma_wait3A_55 = arith.constant 0 : i32
    %dma_wait3A_56 = tpu.memref_slice %arg11[%dma_wait3A_53, %dma_wait3A_54, %dma_wait3A_55] : memref<2x128x128xf32, #tpu.memory_space<vmem>> -> memref<1x128x128xf32, #tpu.memory_space<vmem>>
    %dma_wait3A_57 = tpu.memref_squeeze %dma_wait3A_56 : memref<1x128x128xf32, #tpu.memory_space<vmem>> -> memref<128x128xf32, #tpu.memory_space<vmem>>
    %dma_wait3A_58 = arith.constant 0 : i32
    %dma_wait3A_59 = tpu.memref_slice %arg9[%dma_wait3A_58] : memref<512xi32, #tpu.memory_space<vmem>> -> memref<128xi32, #tpu.memory_space<vmem>>
    %dma_wait3A_60 = arith.constant 0 : i32
    %dma_wait3A_61 = arith.constant 0 : i32
    %dma_wait3A_62 = tpu.memref_slice %arg5[%dma_wait3A_60, %dma_wait3A_61] : memref<32768x128xf32, #tpu.memory_space<hbm>> -> memref<32768x128xf32, #tpu.memory_space<hbm>>
    tpu.wait_indirect_dma semaphore(%arg14 : memref<!tpu.dma_semaphore, #tpu.memory_space<semaphore_mem>>) src(%dma_wait3A_62 : memref<32768x128xf32, #tpu.memory_space<hbm>>) dst(%dma_wait3A_57 : memref<128x128xf32, #tpu.memory_space<vmem>>)
    %run_scoped3A_63 = arith.constant 0 : i32
    "tpu.region"() ({
      %run_scoped3A_176 = tpu.sem_alloc : memref<!tpu.dma_semaphore, #tpu.memory_space<semaphore_mem>>
      %dma_start3A_177 = arith.constant 0 : i32
      %dma_start3A_178 = arith.constant 0 : i32
      %dma_start3A_179 = tpu.memref_slice %arg11[%run_scoped3A_63, %dma_start3A_177, %dma_start3A_178] : memref<2x128x128xf32, #tpu.memory_space<vmem>> -> memref<1x128x128xf32, #tpu.memory_space<vmem>>
      %dma_start3A_180 = tpu.memref_squeeze %dma_start3A_179 : memref<1x128x128xf32, #tpu.memory_space<vmem>> -> memref<128x128xf32, #tpu.memory_space<vmem>>
      %dma_start3A_181 = arith.constant 0 : i32
      %dma_start3A_182 = tpu.memref_slice %arg7[%add3A_43, %dma_start3A_181] : memref<16384x128xf32, #tpu.memory_space<hbm>> -> memref<128x128xf32, #tpu.memory_space<hbm>>
      %dma_start3A_183 = arith.constant 0 : i32
      %dma_start3A_184 = tpu.memref_slice %arg7[%add3A_43, %dma_start3A_183] : memref<16384x128xf32, #tpu.memory_space<hbm>> -> memref<128x128xf32, #tpu.memory_space<hbm>>
      %dma_start3A_185 = arith.constant 0 : i32
      %dma_start3A_186 = arith.constant 0 : i32
      %dma_start3A_187 = tpu.memref_slice %arg11[%run_scoped3A_63, %dma_start3A_185, %dma_start3A_186] : memref<2x128x128xf32, #tpu.memory_space<vmem>> -> memref<1x128x128xf32, #tpu.memory_space<vmem>>
      %dma_start3A_188 = tpu.memref_squeeze %dma_start3A_187 : memref<1x128x128xf32, #tpu.memory_space<vmem>> -> memref<128x128xf32, #tpu.memory_space<vmem>>
      tpu.enqueue_dma source(%dma_start3A_188 : memref<128x128xf32, #tpu.memory_space<vmem>>) target(%dma_start3A_184 : memref<128x128xf32, #tpu.memory_space<hbm>>) target_semaphore(%run_scoped3A_176 : memref<!tpu.dma_semaphore, #tpu.memory_space<semaphore_mem>>)
      %dma_wait3A_189 = arith.constant 0 : i32
      %dma_wait3A_190 = arith.constant 0 : i32
      %dma_wait3A_191 = tpu.memref_slice %arg11[%run_scoped3A_63, %dma_wait3A_189, %dma_wait3A_190] : memref<2x128x128xf32, #tpu.memory_space<vmem>> -> memref<1x128x128xf32, #tpu.memory_space<vmem>>
      %dma_wait3A_192 = tpu.memref_squeeze %dma_wait3A_191 : memref<1x128x128xf32, #tpu.memory_space<vmem>> -> memref<128x128xf32, #tpu.memory_space<vmem>>
      %dma_wait3A_193 = arith.constant 0 : i32
      %dma_wait3A_194 = tpu.memref_slice %arg7[%add3A_43, %dma_wait3A_193] : memref<16384x128xf32, #tpu.memory_space<hbm>> -> memref<128x128xf32, #tpu.memory_space<hbm>>
      %dma_wait3A_195 = arith.constant 0 : i32
      %dma_wait3A_196 = tpu.memref_slice %arg7[%add3A_43, %dma_wait3A_195] : memref<16384x128xf32, #tpu.memory_space<hbm>> -> memref<128x128xf32, #tpu.memory_space<hbm>>
      %dma_wait3A_197 = arith.constant 0 : i32
      %dma_wait3A_198 = arith.constant 0 : i32
      %dma_wait3A_199 = tpu.memref_slice %arg11[%run_scoped3A_63, %dma_wait3A_197, %dma_wait3A_198] : memref<2x128x128xf32, #tpu.memory_space<vmem>> -> memref<1x128x128xf32, #tpu.memory_space<vmem>>
      %dma_wait3A_200 = tpu.memref_squeeze %dma_wait3A_199 : memref<1x128x128xf32, #tpu.memory_space<vmem>> -> memref<128x128xf32, #tpu.memory_space<vmem>>
      tpu.wait_dma2 semaphore(%run_scoped3A_176 : memref<!tpu.dma_semaphore, #tpu.memory_space<semaphore_mem>>) src(%dma_wait3A_200 : memref<128x128xf32, #tpu.memory_space<vmem>>) dst(%dma_wait3A_196 : memref<128x128xf32, #tpu.memory_space<hbm>>)
      tpu.yield
    }) : () -> ()
    %dma_start3A_64 = arith.constant 0 : i32
    %dma_start3A_65 = arith.constant 0 : i32
    %dma_start3A_66 = arith.constant 0 : i32
    %dma_start3A_67 = tpu.memref_slice %arg10[%dma_start3A_64, %dma_start3A_65, %dma_start3A_66] : memref<2x128x128xf32, #tpu.memory_space<vmem>> -> memref<1x128x128xf32, #tpu.memory_space<vmem>>
    %dma_start3A_68 = tpu.memref_squeeze %dma_start3A_67 : memref<1x128x128xf32, #tpu.memory_space<vmem>> -> memref<128x128xf32, #tpu.memory_space<vmem>>
    %dma_start3A_69 = arith.constant 256 : i32
    %dma_start3A_70 = tpu.memref_slice %arg8[%dma_start3A_69] : memref<512xi32, #tpu.memory_space<vmem>> -> memref<128xi32, #tpu.memory_space<vmem>>
    %dma_start3A_71 = arith.constant 0 : i32
    %dma_start3A_72 = arith.constant 0 : i32
    %dma_start3A_73 = tpu.memref_slice %arg4[%dma_start3A_71, %dma_start3A_72] : memref<253952x128xf32, #tpu.memory_space<hbm>> -> memref<253952x128xf32, #tpu.memory_space<hbm>>
    tpu.enqueue_indirect_dma source(%dma_start3A_73 : memref<253952x128xf32, #tpu.memory_space<hbm>>) target(%dma_start3A_68 : memref<128x128xf32, #tpu.memory_space<vmem>>) offsets(%dma_start3A_70 : memref<128xi32, #tpu.memory_space<vmem>>) semaphore(%arg12 : memref<!tpu.dma_semaphore, #tpu.memory_space<semaphore_mem>>)
    %dma_start3A_74 = arith.constant 0 : i32
    %dma_start3A_75 = arith.constant 0 : i32
    %dma_start3A_76 = arith.constant 0 : i32
    %dma_start3A_77 = tpu.memref_slice %arg11[%dma_start3A_74, %dma_start3A_75, %dma_start3A_76] : memref<2x128x128xf32, #tpu.memory_space<vmem>> -> memref<1x128x128xf32, #tpu.memory_space<vmem>>
    %dma_start3A_78 = tpu.memref_squeeze %dma_start3A_77 : memref<1x128x128xf32, #tpu.memory_space<vmem>> -> memref<128x128xf32, #tpu.memory_space<vmem>>
    %dma_start3A_79 = arith.constant 256 : i32
    %dma_start3A_80 = tpu.memref_slice %arg9[%dma_start3A_79] : memref<512xi32, #tpu.memory_space<vmem>> -> memref<128xi32, #tpu.memory_space<vmem>>
    %dma_start3A_81 = arith.constant 0 : i32
    %dma_start3A_82 = arith.constant 0 : i32
    %dma_start3A_83 = tpu.memref_slice %arg5[%dma_start3A_81, %dma_start3A_82] : memref<32768x128xf32, #tpu.memory_space<hbm>> -> memref<32768x128xf32, #tpu.memory_space<hbm>>
    tpu.enqueue_indirect_dma source(%dma_start3A_83 : memref<32768x128xf32, #tpu.memory_space<hbm>>) target(%dma_start3A_78 : memref<128x128xf32, #tpu.memory_space<vmem>>) offsets(%dma_start3A_80 : memref<128xi32, #tpu.memory_space<vmem>>) semaphore(%arg14 : memref<!tpu.dma_semaphore, #tpu.memory_space<semaphore_mem>>)
    %add3A_84 = arith.constant 128 : i32
    %add3A_85 = arith.addi %mul3A_2, %add3A_84 : i32
    %dma_wait3A_86 = arith.constant 1 : i32
    %dma_wait3A_87 = arith.constant 0 : i32
    %dma_wait3A_88 = arith.constant 0 : i32
    %dma_wait3A_89 = tpu.memref_slice %arg10[%dma_wait3A_86, %dma_wait3A_87, %dma_wait3A_88] : memref<2x128x128xf32, #tpu.memory_space<vmem>> -> memref<1x128x128xf32, #tpu.memory_space<vmem>>
    %dma_wait3A_90 = tpu.memref_squeeze %dma_wait3A_89 : memref<1x128x128xf32, #tpu.memory_space<vmem>> -> memref<128x128xf32, #tpu.memory_space<vmem>>
    %dma_wait3A_91 = arith.constant 128 : i32
    %dma_wait3A_92 = tpu.memref_slice %arg8[%dma_wait3A_91] : memref<512xi32, #tpu.memory_space<vmem>> -> memref<128xi32, #tpu.memory_space<vmem>>
    %dma_wait3A_93 = arith.constant 0 : i32
    %dma_wait3A_94 = arith.constant 0 : i32
    %dma_wait3A_95 = tpu.memref_slice %arg4[%dma_wait3A_93, %dma_wait3A_94] : memref<253952x128xf32, #tpu.memory_space<hbm>> -> memref<253952x128xf32, #tpu.memory_space<hbm>>
    tpu.wait_indirect_dma semaphore(%arg13 : memref<!tpu.dma_semaphore, #tpu.memory_space<semaphore_mem>>) src(%dma_wait3A_95 : memref<253952x128xf32, #tpu.memory_space<hbm>>) dst(%dma_wait3A_90 : memref<128x128xf32, #tpu.memory_space<vmem>>)
    %run_scoped3A_96 = arith.constant 1 : i32
    "tpu.region"() ({
      %run_scoped3A_176 = tpu.sem_alloc : memref<!tpu.dma_semaphore, #tpu.memory_space<semaphore_mem>>
      %dma_start3A_177 = arith.constant 0 : i32
      %dma_start3A_178 = arith.constant 0 : i32
      %dma_start3A_179 = tpu.memref_slice %arg10[%run_scoped3A_96, %dma_start3A_177, %dma_start3A_178] : memref<2x128x128xf32, #tpu.memory_space<vmem>> -> memref<1x128x128xf32, #tpu.memory_space<vmem>>
      %dma_start3A_180 = tpu.memref_squeeze %dma_start3A_179 : memref<1x128x128xf32, #tpu.memory_space<vmem>> -> memref<128x128xf32, #tpu.memory_space<vmem>>
      %dma_start3A_181 = arith.constant 0 : i32
      %dma_start3A_182 = tpu.memref_slice %arg6[%add3A_85, %dma_start3A_181] : memref<16384x128xf32, #tpu.memory_space<hbm>> -> memref<128x128xf32, #tpu.memory_space<hbm>>
      %dma_start3A_183 = arith.constant 0 : i32
      %dma_start3A_184 = tpu.memref_slice %arg6[%add3A_85, %dma_start3A_183] : memref<16384x128xf32, #tpu.memory_space<hbm>> -> memref<128x128xf32, #tpu.memory_space<hbm>>
      %dma_start3A_185 = arith.constant 0 : i32
      %dma_start3A_186 = arith.constant 0 : i32
      %dma_start3A_187 = tpu.memref_slice %arg10[%run_scoped3A_96, %dma_start3A_185, %dma_start3A_186] : memref<2x128x128xf32, #tpu.memory_space<vmem>> -> memref<1x128x128xf32, #tpu.memory_space<vmem>>
      %dma_start3A_188 = tpu.memref_squeeze %dma_start3A_187 : memref<1x128x128xf32, #tpu.memory_space<vmem>> -> memref<128x128xf32, #tpu.memory_space<vmem>>
      tpu.enqueue_dma source(%dma_start3A_188 : memref<128x128xf32, #tpu.memory_space<vmem>>) target(%dma_start3A_184 : memref<128x128xf32, #tpu.memory_space<hbm>>) target_semaphore(%run_scoped3A_176 : memref<!tpu.dma_semaphore, #tpu.memory_space<semaphore_mem>>)
      %dma_wait3A_189 = arith.constant 0 : i32
      %dma_wait3A_190 = arith.constant 0 : i32
      %dma_wait3A_191 = tpu.memref_slice %arg10[%run_scoped3A_96, %dma_wait3A_189, %dma_wait3A_190] : memref<2x128x128xf32, #tpu.memory_space<vmem>> -> memref<1x128x128xf32, #tpu.memory_space<vmem>>
      %dma_wait3A_192 = tpu.memref_squeeze %dma_wait3A_191 : memref<1x128x128xf32, #tpu.memory_space<vmem>> -> memref<128x128xf32, #tpu.memory_space<vmem>>
      %dma_wait3A_193 = arith.constant 0 : i32
      %dma_wait3A_194 = tpu.memref_slice %arg6[%add3A_85, %dma_wait3A_193] : memref<16384x128xf32, #tpu.memory_space<hbm>> -> memref<128x128xf32, #tpu.memory_space<hbm>>
      %dma_wait3A_195 = arith.constant 0 : i32
      %dma_wait3A_196 = tpu.memref_slice %arg6[%add3A_85, %dma_wait3A_195] : memref<16384x128xf32, #tpu.memory_space<hbm>> -> memref<128x128xf32, #tpu.memory_space<hbm>>
      %dma_wait3A_197 = arith.constant 0 : i32
      %dma_wait3A_198 = arith.constant 0 : i32
      %dma_wait3A_199 = tpu.memref_slice %arg10[%run_scoped3A_96, %dma_wait3A_197, %dma_wait3A_198] : memref<2x128x128xf32, #tpu.memory_space<vmem>> -> memref<1x128x128xf32, #tpu.memory_space<vmem>>
      %dma_wait3A_200 = tpu.memref_squeeze %dma_wait3A_199 : memref<1x128x128xf32, #tpu.memory_space<vmem>> -> memref<128x128xf32, #tpu.memory_space<vmem>>
      tpu.wait_dma2 semaphore(%run_scoped3A_176 : memref<!tpu.dma_semaphore, #tpu.memory_space<semaphore_mem>>) src(%dma_wait3A_200 : memref<128x128xf32, #tpu.memory_space<vmem>>) dst(%dma_wait3A_196 : memref<128x128xf32, #tpu.memory_space<hbm>>)
      tpu.yield
    }) : () -> ()
    %dma_wait3A_97 = arith.constant 1 : i32
    %dma_wait3A_98 = arith.constant 0 : i32
    %dma_wait3A_99 = arith.constant 0 : i32
    %dma_wait3A_100 = tpu.memref_slice %arg11[%dma_wait3A_97, %dma_wait3A_98, %dma_wait3A_99] : memref<2x128x128xf32, #tpu.memory_space<vmem>> -> memref<1x128x128xf32, #tpu.memory_space<vmem>>
    %dma_wait3A_101 = tpu.memref_squeeze %dma_wait3A_100 : memref<1x128x128xf32, #tpu.memory_space<vmem>> -> memref<128x128xf32, #tpu.memory_space<vmem>>
    %dma_wait3A_102 = arith.constant 128 : i32
    %dma_wait3A_103 = tpu.memref_slice %arg9[%dma_wait3A_102] : memref<512xi32, #tpu.memory_space<vmem>> -> memref<128xi32, #tpu.memory_space<vmem>>
    %dma_wait3A_104 = arith.constant 0 : i32
    %dma_wait3A_105 = arith.constant 0 : i32
    %dma_wait3A_106 = tpu.memref_slice %arg5[%dma_wait3A_104, %dma_wait3A_105] : memref<32768x128xf32, #tpu.memory_space<hbm>> -> memref<32768x128xf32, #tpu.memory_space<hbm>>
    tpu.wait_indirect_dma semaphore(%arg15 : memref<!tpu.dma_semaphore, #tpu.memory_space<semaphore_mem>>) src(%dma_wait3A_106 : memref<32768x128xf32, #tpu.memory_space<hbm>>) dst(%dma_wait3A_101 : memref<128x128xf32, #tpu.memory_space<vmem>>)
    %run_scoped3A_107 = arith.constant 1 : i32
    "tpu.region"() ({
      %run_scoped3A_176 = tpu.sem_alloc : memref<!tpu.dma_semaphore, #tpu.memory_space<semaphore_mem>>
      %dma_start3A_177 = arith.constant 0 : i32
      %dma_start3A_178 = arith.constant 0 : i32
      %dma_start3A_179 = tpu.memref_slice %arg11[%run_scoped3A_107, %dma_start3A_177, %dma_start3A_178] : memref<2x128x128xf32, #tpu.memory_space<vmem>> -> memref<1x128x128xf32, #tpu.memory_space<vmem>>
      %dma_start3A_180 = tpu.memref_squeeze %dma_start3A_179 : memref<1x128x128xf32, #tpu.memory_space<vmem>> -> memref<128x128xf32, #tpu.memory_space<vmem>>
      %dma_start3A_181 = arith.constant 0 : i32
      %dma_start3A_182 = tpu.memref_slice %arg7[%add3A_85, %dma_start3A_181] : memref<16384x128xf32, #tpu.memory_space<hbm>> -> memref<128x128xf32, #tpu.memory_space<hbm>>
      %dma_start3A_183 = arith.constant 0 : i32
      %dma_start3A_184 = tpu.memref_slice %arg7[%add3A_85, %dma_start3A_183] : memref<16384x128xf32, #tpu.memory_space<hbm>> -> memref<128x128xf32, #tpu.memory_space<hbm>>
      %dma_start3A_185 = arith.constant 0 : i32
      %dma_start3A_186 = arith.constant 0 : i32
      %dma_start3A_187 = tpu.memref_slice %arg11[%run_scoped3A_107, %dma_start3A_185, %dma_start3A_186] : memref<2x128x128xf32, #tpu.memory_space<vmem>> -> memref<1x128x128xf32, #tpu.memory_space<vmem>>
      %dma_start3A_188 = tpu.memref_squeeze %dma_start3A_187 : memref<1x128x128xf32, #tpu.memory_space<vmem>> -> memref<128x128xf32, #tpu.memory_space<vmem>>
      tpu.enqueue_dma source(%dma_start3A_188 : memref<128x128xf32, #tpu.memory_space<vmem>>) target(%dma_start3A_184 : memref<128x128xf32, #tpu.memory_space<hbm>>) target_semaphore(%run_scoped3A_176 : memref<!tpu.dma_semaphore, #tpu.memory_space<semaphore_mem>>)
      %dma_wait3A_189 = arith.constant 0 : i32
      %dma_wait3A_190 = arith.constant 0 : i32
      %dma_wait3A_191 = tpu.memref_slice %arg11[%run_scoped3A_107, %dma_wait3A_189, %dma_wait3A_190] : memref<2x128x128xf32, #tpu.memory_space<vmem>> -> memref<1x128x128xf32, #tpu.memory_space<vmem>>
      %dma_wait3A_192 = tpu.memref_squeeze %dma_wait3A_191 : memref<1x128x128xf32, #tpu.memory_space<vmem>> -> memref<128x128xf32, #tpu.memory_space<vmem>>
      %dma_wait3A_193 = arith.constant 0 : i32
      %dma_wait3A_194 = tpu.memref_slice %arg7[%add3A_85, %dma_wait3A_193] : memref<16384x128xf32, #tpu.memory_space<hbm>> -> memref<128x128xf32, #tpu.memory_space<hbm>>
      %dma_wait3A_195 = arith.constant 0 : i32
      %dma_wait3A_196 = tpu.memref_slice %arg7[%add3A_85, %dma_wait3A_195] : memref<16384x128xf32, #tpu.memory_space<hbm>> -> memref<128x128xf32, #tpu.memory_space<hbm>>
      %dma_wait3A_197 = arith.constant 0 : i32
      %dma_wait3A_198 = arith.constant 0 : i32
      %dma_wait3A_199 = tpu.memref_slice %arg11[%run_scoped3A_107, %dma_wait3A_197, %dma_wait3A_198] : memref<2x128x128xf32, #tpu.memory_space<vmem>> -> memref<1x128x128xf32, #tpu.memory_space<vmem>>
      %dma_wait3A_200 = tpu.memref_squeeze %dma_wait3A_199 : memref<1x128x128xf32, #tpu.memory_space<vmem>> -> memref<128x128xf32, #tpu.memory_space<vmem>>
      tpu.wait_dma2 semaphore(%run_scoped3A_176 : memref<!tpu.dma_semaphore, #tpu.memory_space<semaphore_mem>>) src(%dma_wait3A_200 : memref<128x128xf32, #tpu.memory_space<vmem>>) dst(%dma_wait3A_196 : memref<128x128xf32, #tpu.memory_space<hbm>>)
      tpu.yield
    }) : () -> ()
    %dma_start3A_108 = arith.constant 1 : i32
    %dma_start3A_109 = arith.constant 0 : i32
    %dma_start3A_110 = arith.constant 0 : i32
    %dma_start3A_111 = tpu.memref_slice %arg10[%dma_start3A_108, %dma_start3A_109, %dma_start3A_110] : memref<2x128x128xf32, #tpu.memory_space<vmem>> -> memref<1x128x128xf32, #tpu.memory_space<vmem>>
    %dma_start3A_112 = tpu.memref_squeeze %dma_start3A_111 : memref<1x128x128xf32, #tpu.memory_space<vmem>> -> memref<128x128xf32, #tpu.memory_space<vmem>>
    %dma_start3A_113 = arith.constant 384 : i32
    %dma_start3A_114 = tpu.memref_slice %arg8[%dma_start3A_113] : memref<512xi32, #tpu.memory_space<vmem>> -> memref<128xi32, #tpu.memory_space<vmem>>
    %dma_start3A_115 = arith.constant 0 : i32
    %dma_start3A_116 = arith.constant 0 : i32
    %dma_start3A_117 = tpu.memref_slice %arg4[%dma_start3A_115, %dma_start3A_116] : memref<253952x128xf32, #tpu.memory_space<hbm>> -> memref<253952x128xf32, #tpu.memory_space<hbm>>
    tpu.enqueue_indirect_dma source(%dma_start3A_117 : memref<253952x128xf32, #tpu.memory_space<hbm>>) target(%dma_start3A_112 : memref<128x128xf32, #tpu.memory_space<vmem>>) offsets(%dma_start3A_114 : memref<128xi32, #tpu.memory_space<vmem>>) semaphore(%arg13 : memref<!tpu.dma_semaphore, #tpu.memory_space<semaphore_mem>>)
    %dma_start3A_118 = arith.constant 1 : i32
    %dma_start3A_119 = arith.constant 0 : i32
    %dma_start3A_120 = arith.constant 0 : i32
    %dma_start3A_121 = tpu.memref_slice %arg11[%dma_start3A_118, %dma_start3A_119, %dma_start3A_120] : memref<2x128x128xf32, #tpu.memory_space<vmem>> -> memref<1x128x128xf32, #tpu.memory_space<vmem>>
    %dma_start3A_122 = tpu.memref_squeeze %dma_start3A_121 : memref<1x128x128xf32, #tpu.memory_space<vmem>> -> memref<128x128xf32, #tpu.memory_space<vmem>>
    %dma_start3A_123 = arith.constant 384 : i32
    %dma_start3A_124 = tpu.memref_slice %arg9[%dma_start3A_123] : memref<512xi32, #tpu.memory_space<vmem>> -> memref<128xi32, #tpu.memory_space<vmem>>
    %dma_start3A_125 = arith.constant 0 : i32
    %dma_start3A_126 = arith.constant 0 : i32
    %dma_start3A_127 = tpu.memref_slice %arg5[%dma_start3A_125, %dma_start3A_126] : memref<32768x128xf32, #tpu.memory_space<hbm>> -> memref<32768x128xf32, #tpu.memory_space<hbm>>
    tpu.enqueue_indirect_dma source(%dma_start3A_127 : memref<32768x128xf32, #tpu.memory_space<hbm>>) target(%dma_start3A_122 : memref<128x128xf32, #tpu.memory_space<vmem>>) offsets(%dma_start3A_124 : memref<128xi32, #tpu.memory_space<vmem>>) semaphore(%arg15 : memref<!tpu.dma_semaphore, #tpu.memory_space<semaphore_mem>>)
    %add3A_128 = arith.constant 256 : i32
    %add3A_129 = arith.addi %mul3A_2, %add3A_128 : i32
    %dma_wait3A_130 = arith.constant 0 : i32
    %dma_wait3A_131 = arith.constant 0 : i32
    %dma_wait3A_132 = arith.constant 0 : i32
    %dma_wait3A_133 = tpu.memref_slice %arg10[%dma_wait3A_130, %dma_wait3A_131, %dma_wait3A_132] : memref<2x128x128xf32, #tpu.memory_space<vmem>> -> memref<1x128x128xf32, #tpu.memory_space<vmem>>
    %dma_wait3A_134 = tpu.memref_squeeze %dma_wait3A_133 : memref<1x128x128xf32, #tpu.memory_space<vmem>> -> memref<128x128xf32, #tpu.memory_space<vmem>>
    %dma_wait3A_135 = arith.constant 256 : i32
    %dma_wait3A_136 = tpu.memref_slice %arg8[%dma_wait3A_135] : memref<512xi32, #tpu.memory_space<vmem>> -> memref<128xi32, #tpu.memory_space<vmem>>
    %dma_wait3A_137 = arith.constant 0 : i32
    %dma_wait3A_138 = arith.constant 0 : i32
    %dma_wait3A_139 = tpu.memref_slice %arg4[%dma_wait3A_137, %dma_wait3A_138] : memref<253952x128xf32, #tpu.memory_space<hbm>> -> memref<253952x128xf32, #tpu.memory_space<hbm>>
    tpu.wait_indirect_dma semaphore(%arg12 : memref<!tpu.dma_semaphore, #tpu.memory_space<semaphore_mem>>) src(%dma_wait3A_139 : memref<253952x128xf32, #tpu.memory_space<hbm>>) dst(%dma_wait3A_134 : memref<128x128xf32, #tpu.memory_space<vmem>>)
    %run_scoped3A_140 = arith.constant 0 : i32
    "tpu.region"() ({
      %run_scoped3A_176 = tpu.sem_alloc : memref<!tpu.dma_semaphore, #tpu.memory_space<semaphore_mem>>
      %dma_start3A_177 = arith.constant 0 : i32
      %dma_start3A_178 = arith.constant 0 : i32
      %dma_start3A_179 = tpu.memref_slice %arg10[%run_scoped3A_140, %dma_start3A_177, %dma_start3A_178] : memref<2x128x128xf32, #tpu.memory_space<vmem>> -> memref<1x128x128xf32, #tpu.memory_space<vmem>>
      %dma_start3A_180 = tpu.memref_squeeze %dma_start3A_179 : memref<1x128x128xf32, #tpu.memory_space<vmem>> -> memref<128x128xf32, #tpu.memory_space<vmem>>
      %dma_start3A_181 = arith.constant 0 : i32
      %dma_start3A_182 = tpu.memref_slice %arg6[%add3A_129, %dma_start3A_181] : memref<16384x128xf32, #tpu.memory_space<hbm>> -> memref<128x128xf32, #tpu.memory_space<hbm>>
      %dma_start3A_183 = arith.constant 0 : i32
      %dma_start3A_184 = tpu.memref_slice %arg6[%add3A_129, %dma_start3A_183] : memref<16384x128xf32, #tpu.memory_space<hbm>> -> memref<128x128xf32, #tpu.memory_space<hbm>>
      %dma_start3A_185 = arith.constant 0 : i32
      %dma_start3A_186 = arith.constant 0 : i32
      %dma_start3A_187 = tpu.memref_slice %arg10[%run_scoped3A_140, %dma_start3A_185, %dma_start3A_186] : memref<2x128x128xf32, #tpu.memory_space<vmem>> -> memref<1x128x128xf32, #tpu.memory_space<vmem>>
      %dma_start3A_188 = tpu.memref_squeeze %dma_start3A_187 : memref<1x128x128xf32, #tpu.memory_space<vmem>> -> memref<128x128xf32, #tpu.memory_space<vmem>>
      tpu.enqueue_dma source(%dma_start3A_188 : memref<128x128xf32, #tpu.memory_space<vmem>>) target(%dma_start3A_184 : memref<128x128xf32, #tpu.memory_space<hbm>>) target_semaphore(%run_scoped3A_176 : memref<!tpu.dma_semaphore, #tpu.memory_space<semaphore_mem>>)
      %dma_wait3A_189 = arith.constant 0 : i32
      %dma_wait3A_190 = arith.constant 0 : i32
      %dma_wait3A_191 = tpu.memref_slice %arg10[%run_scoped3A_140, %dma_wait3A_189, %dma_wait3A_190] : memref<2x128x128xf32, #tpu.memory_space<vmem>> -> memref<1x128x128xf32, #tpu.memory_space<vmem>>
      %dma_wait3A_192 = tpu.memref_squeeze %dma_wait3A_191 : memref<1x128x128xf32, #tpu.memory_space<vmem>> -> memref<128x128xf32, #tpu.memory_space<vmem>>
      %dma_wait3A_193 = arith.constant 0 : i32
      %dma_wait3A_194 = tpu.memref_slice %arg6[%add3A_129, %dma_wait3A_193] : memref<16384x128xf32, #tpu.memory_space<hbm>> -> memref<128x128xf32, #tpu.memory_space<hbm>>
      %dma_wait3A_195 = arith.constant 0 : i32
      %dma_wait3A_196 = tpu.memref_slice %arg6[%add3A_129, %dma_wait3A_195] : memref<16384x128xf32, #tpu.memory_space<hbm>> -> memref<128x128xf32, #tpu.memory_space<hbm>>
      %dma_wait3A_197 = arith.constant 0 : i32
      %dma_wait3A_198 = arith.constant 0 : i32
      %dma_wait3A_199 = tpu.memref_slice %arg10[%run_scoped3A_140, %dma_wait3A_197, %dma_wait3A_198] : memref<2x128x128xf32, #tpu.memory_space<vmem>> -> memref<1x128x128xf32, #tpu.memory_space<vmem>>
      %dma_wait3A_200 = tpu.memref_squeeze %dma_wait3A_199 : memref<1x128x128xf32, #tpu.memory_space<vmem>> -> memref<128x128xf32, #tpu.memory_space<vmem>>
      tpu.wait_dma2 semaphore(%run_scoped3A_176 : memref<!tpu.dma_semaphore, #tpu.memory_space<semaphore_mem>>) src(%dma_wait3A_200 : memref<128x128xf32, #tpu.memory_space<vmem>>) dst(%dma_wait3A_196 : memref<128x128xf32, #tpu.memory_space<hbm>>)
      tpu.yield
    }) : () -> ()
    %dma_wait3A_141 = arith.constant 0 : i32
    %dma_wait3A_142 = arith.constant 0 : i32
    %dma_wait3A_143 = arith.constant 0 : i32
    %dma_wait3A_144 = tpu.memref_slice %arg11[%dma_wait3A_141, %dma_wait3A_142, %dma_wait3A_143] : memref<2x128x128xf32, #tpu.memory_space<vmem>> -> memref<1x128x128xf32, #tpu.memory_space<vmem>>
    %dma_wait3A_145 = tpu.memref_squeeze %dma_wait3A_144 : memref<1x128x128xf32, #tpu.memory_space<vmem>> -> memref<128x128xf32, #tpu.memory_space<vmem>>
    %dma_wait3A_146 = arith.constant 256 : i32
    %dma_wait3A_147 = tpu.memref_slice %arg9[%dma_wait3A_146] : memref<512xi32, #tpu.memory_space<vmem>> -> memref<128xi32, #tpu.memory_space<vmem>>
    %dma_wait3A_148 = arith.constant 0 : i32
    %dma_wait3A_149 = arith.constant 0 : i32
    %dma_wait3A_150 = tpu.memref_slice %arg5[%dma_wait3A_148, %dma_wait3A_149] : memref<32768x128xf32, #tpu.memory_space<hbm>> -> memref<32768x128xf32, #tpu.memory_space<hbm>>
    tpu.wait_indirect_dma semaphore(%arg14 : memref<!tpu.dma_semaphore, #tpu.memory_space<semaphore_mem>>) src(%dma_wait3A_150 : memref<32768x128xf32, #tpu.memory_space<hbm>>) dst(%dma_wait3A_145 : memref<128x128xf32, #tpu.memory_space<vmem>>)
    %run_scoped3A_151 = arith.constant 0 : i32
    "tpu.region"() ({
      %run_scoped3A_176 = tpu.sem_alloc : memref<!tpu.dma_semaphore, #tpu.memory_space<semaphore_mem>>
      %dma_start3A_177 = arith.constant 0 : i32
      %dma_start3A_178 = arith.constant 0 : i32
      %dma_start3A_179 = tpu.memref_slice %arg11[%run_scoped3A_151, %dma_start3A_177, %dma_start3A_178] : memref<2x128x128xf32, #tpu.memory_space<vmem>> -> memref<1x128x128xf32, #tpu.memory_space<vmem>>
      %dma_start3A_180 = tpu.memref_squeeze %dma_start3A_179 : memref<1x128x128xf32, #tpu.memory_space<vmem>> -> memref<128x128xf32, #tpu.memory_space<vmem>>
      %dma_start3A_181 = arith.constant 0 : i32
      %dma_start3A_182 = tpu.memref_slice %arg7[%add3A_129, %dma_start3A_181] : memref<16384x128xf32, #tpu.memory_space<hbm>> -> memref<128x128xf32, #tpu.memory_space<hbm>>
      %dma_start3A_183 = arith.constant 0 : i32
      %dma_start3A_184 = tpu.memref_slice %arg7[%add3A_129, %dma_start3A_183] : memref<16384x128xf32, #tpu.memory_space<hbm>> -> memref<128x128xf32, #tpu.memory_space<hbm>>
      %dma_start3A_185 = arith.constant 0 : i32
      %dma_start3A_186 = arith.constant 0 : i32
      %dma_start3A_187 = tpu.memref_slice %arg11[%run_scoped3A_151, %dma_start3A_185, %dma_start3A_186] : memref<2x128x128xf32, #tpu.memory_space<vmem>> -> memref<1x128x128xf32, #tpu.memory_space<vmem>>
      %dma_start3A_188 = tpu.memref_squeeze %dma_start3A_187 : memref<1x128x128xf32, #tpu.memory_space<vmem>> -> memref<128x128xf32, #tpu.memory_space<vmem>>
      tpu.enqueue_dma source(%dma_start3A_188 : memref<128x128xf32, #tpu.memory_space<vmem>>) target(%dma_start3A_184 : memref<128x128xf32, #tpu.memory_space<hbm>>) target_semaphore(%run_scoped3A_176 : memref<!tpu.dma_semaphore, #tpu.memory_space<semaphore_mem>>)
      %dma_wait3A_189 = arith.constant 0 : i32
      %dma_wait3A_190 = arith.constant 0 : i32
      %dma_wait3A_191 = tpu.memref_slice %arg11[%run_scoped3A_151, %dma_wait3A_189, %dma_wait3A_190] : memref<2x128x128xf32, #tpu.memory_space<vmem>> -> memref<1x128x128xf32, #tpu.memory_space<vmem>>
      %dma_wait3A_192 = tpu.memref_squeeze %dma_wait3A_191 : memref<1x128x128xf32, #tpu.memory_space<vmem>> -> memref<128x128xf32, #tpu.memory_space<vmem>>
      %dma_wait3A_193 = arith.constant 0 : i32
      %dma_wait3A_194 = tpu.memref_slice %arg7[%add3A_129, %dma_wait3A_193] : memref<16384x128xf32, #tpu.memory_space<hbm>> -> memref<128x128xf32, #tpu.memory_space<hbm>>
      %dma_wait3A_195 = arith.constant 0 : i32
      %dma_wait3A_196 = tpu.memref_slice %arg7[%add3A_129, %dma_wait3A_195] : memref<16384x128xf32, #tpu.memory_space<hbm>> -> memref<128x128xf32, #tpu.memory_space<hbm>>
      %dma_wait3A_197 = arith.constant 0 : i32
      %dma_wait3A_198 = arith.constant 0 : i32
      %dma_wait3A_199 = tpu.memref_slice %arg11[%run_scoped3A_151, %dma_wait3A_197, %dma_wait3A_198] : memref<2x128x128xf32, #tpu.memory_space<vmem>> -> memref<1x128x128xf32, #tpu.memory_space<vmem>>
      %dma_wait3A_200 = tpu.memref_squeeze %dma_wait3A_199 : memref<1x128x128xf32, #tpu.memory_space<vmem>> -> memref<128x128xf32, #tpu.memory_space<vmem>>
      tpu.wait_dma2 semaphore(%run_scoped3A_176 : memref<!tpu.dma_semaphore, #tpu.memory_space<semaphore_mem>>) src(%dma_wait3A_200 : memref<128x128xf32, #tpu.memory_space<vmem>>) dst(%dma_wait3A_196 : memref<128x128xf32, #tpu.memory_space<hbm>>)
      tpu.yield
    }) : () -> ()
    %add3A_152 = arith.constant 384 : i32
    %add3A_153 = arith.addi %mul3A_2, %add3A_152 : i32
    %dma_wait3A_154 = arith.constant 1 : i32
    %dma_wait3A_155 = arith.constant 0 : i32
    %dma_wait3A_156 = arith.constant 0 : i32
    %dma_wait3A_157 = tpu.memref_slice %arg10[%dma_wait3A_154, %dma_wait3A_155, %dma_wait3A_156] : memref<2x128x128xf32, #tpu.memory_space<vmem>> -> memref<1x128x128xf32, #tpu.memory_space<vmem>>
    %dma_wait3A_158 = tpu.memref_squeeze %dma_wait3A_157 : memref<1x128x128xf32, #tpu.memory_space<vmem>> -> memref<128x128xf32, #tpu.memory_space<vmem>>
    %dma_wait3A_159 = arith.constant 384 : i32
    %dma_wait3A_160 = tpu.memref_slice %arg8[%dma_wait3A_159] : memref<512xi32, #tpu.memory_space<vmem>> -> memref<128xi32, #tpu.memory_space<vmem>>
    %dma_wait3A_161 = arith.constant 0 : i32
    %dma_wait3A_162 = arith.constant 0 : i32
    %dma_wait3A_163 = tpu.memref_slice %arg4[%dma_wait3A_161, %dma_wait3A_162] : memref<253952x128xf32, #tpu.memory_space<hbm>> -> memref<253952x128xf32, #tpu.memory_space<hbm>>
    tpu.wait_indirect_dma semaphore(%arg13 : memref<!tpu.dma_semaphore, #tpu.memory_space<semaphore_mem>>) src(%dma_wait3A_163 : memref<253952x128xf32, #tpu.memory_space<hbm>>) dst(%dma_wait3A_158 : memref<128x128xf32, #tpu.memory_space<vmem>>)
    %run_scoped3A_164 = arith.constant 1 : i32
    "tpu.region"() ({
      %run_scoped3A_176 = tpu.sem_alloc : memref<!tpu.dma_semaphore, #tpu.memory_space<semaphore_mem>>
      %dma_start3A_177 = arith.constant 0 : i32
      %dma_start3A_178 = arith.constant 0 : i32
      %dma_start3A_179 = tpu.memref_slice %arg10[%run_scoped3A_164, %dma_start3A_177, %dma_start3A_178] : memref<2x128x128xf32, #tpu.memory_space<vmem>> -> memref<1x128x128xf32, #tpu.memory_space<vmem>>
      %dma_start3A_180 = tpu.memref_squeeze %dma_start3A_179 : memref<1x128x128xf32, #tpu.memory_space<vmem>> -> memref<128x128xf32, #tpu.memory_space<vmem>>
      %dma_start3A_181 = arith.constant 0 : i32
      %dma_start3A_182 = tpu.memref_slice %arg6[%add3A_153, %dma_start3A_181] : memref<16384x128xf32, #tpu.memory_space<hbm>> -> memref<128x128xf32, #tpu.memory_space<hbm>>
      %dma_start3A_183 = arith.constant 0 : i32
      %dma_start3A_184 = tpu.memref_slice %arg6[%add3A_153, %dma_start3A_183] : memref<16384x128xf32, #tpu.memory_space<hbm>> -> memref<128x128xf32, #tpu.memory_space<hbm>>
      %dma_start3A_185 = arith.constant 0 : i32
      %dma_start3A_186 = arith.constant 0 : i32
      %dma_start3A_187 = tpu.memref_slice %arg10[%run_scoped3A_164, %dma_start3A_185, %dma_start3A_186] : memref<2x128x128xf32, #tpu.memory_space<vmem>> -> memref<1x128x128xf32, #tpu.memory_space<vmem>>
      %dma_start3A_188 = tpu.memref_squeeze %dma_start3A_187 : memref<1x128x128xf32, #tpu.memory_space<vmem>> -> memref<128x128xf32, #tpu.memory_space<vmem>>
      tpu.enqueue_dma source(%dma_start3A_188 : memref<128x128xf32, #tpu.memory_space<vmem>>) target(%dma_start3A_184 : memref<128x128xf32, #tpu.memory_space<hbm>>) target_semaphore(%run_scoped3A_176 : memref<!tpu.dma_semaphore, #tpu.memory_space<semaphore_mem>>)
      %dma_wait3A_189 = arith.constant 0 : i32
      %dma_wait3A_190 = arith.constant 0 : i32
      %dma_wait3A_191 = tpu.memref_slice %arg10[%run_scoped3A_164, %dma_wait3A_189, %dma_wait3A_190] : memref<2x128x128xf32, #tpu.memory_space<vmem>> -> memref<1x128x128xf32, #tpu.memory_space<vmem>>
      %dma_wait3A_192 = tpu.memref_squeeze %dma_wait3A_191 : memref<1x128x128xf32, #tpu.memory_space<vmem>> -> memref<128x128xf32, #tpu.memory_space<vmem>>
      %dma_wait3A_193 = arith.constant 0 : i32
      %dma_wait3A_194 = tpu.memref_slice %arg6[%add3A_153, %dma_wait3A_193] : memref<16384x128xf32, #tpu.memory_space<hbm>> -> memref<128x128xf32, #tpu.memory_space<hbm>>
      %dma_wait3A_195 = arith.constant 0 : i32
      %dma_wait3A_196 = tpu.memref_slice %arg6[%add3A_153, %dma_wait3A_195] : memref<16384x128xf32, #tpu.memory_space<hbm>> -> memref<128x128xf32, #tpu.memory_space<hbm>>
      %dma_wait3A_197 = arith.constant 0 : i32
      %dma_wait3A_198 = arith.constant 0 : i32
      %dma_wait3A_199 = tpu.memref_slice %arg10[%run_scoped3A_164, %dma_wait3A_197, %dma_wait3A_198] : memref<2x128x128xf32, #tpu.memory_space<vmem>> -> memref<1x128x128xf32, #tpu.memory_space<vmem>>
      %dma_wait3A_200 = tpu.memref_squeeze %dma_wait3A_199 : memref<1x128x128xf32, #tpu.memory_space<vmem>> -> memref<128x128xf32, #tpu.memory_space<vmem>>
      tpu.wait_dma2 semaphore(%run_scoped3A_176 : memref<!tpu.dma_semaphore, #tpu.memory_space<semaphore_mem>>) src(%dma_wait3A_200 : memref<128x128xf32, #tpu.memory_space<vmem>>) dst(%dma_wait3A_196 : memref<128x128xf32, #tpu.memory_space<hbm>>)
      tpu.yield
    }) : () -> ()
    %dma_wait3A_165 = arith.constant 1 : i32
    %dma_wait3A_166 = arith.constant 0 : i32
    %dma_wait3A_167 = arith.constant 0 : i32
    %dma_wait3A_168 = tpu.memref_slice %arg11[%dma_wait3A_165, %dma_wait3A_166, %dma_wait3A_167] : memref<2x128x128xf32, #tpu.memory_space<vmem>> -> memref<1x128x128xf32, #tpu.memory_space<vmem>>
    %dma_wait3A_169 = tpu.memref_squeeze %dma_wait3A_168 : memref<1x128x128xf32, #tpu.memory_space<vmem>> -> memref<128x128xf32, #tpu.memory_space<vmem>>
    %dma_wait3A_170 = arith.constant 384 : i32
    %dma_wait3A_171 = tpu.memref_slice %arg9[%dma_wait3A_170] : memref<512xi32, #tpu.memory_space<vmem>> -> memref<128xi32, #tpu.memory_space<vmem>>
    %dma_wait3A_172 = arith.constant 0 : i32
    %dma_wait3A_173 = arith.constant 0 : i32
    %dma_wait3A_174 = tpu.memref_slice %arg5[%dma_wait3A_172, %dma_wait3A_173] : memref<32768x128xf32, #tpu.memory_space<hbm>> -> memref<32768x128xf32, #tpu.memory_space<hbm>>
    tpu.wait_indirect_dma semaphore(%arg15 : memref<!tpu.dma_semaphore, #tpu.memory_space<semaphore_mem>>) src(%dma_wait3A_174 : memref<32768x128xf32, #tpu.memory_space<hbm>>) dst(%dma_wait3A_169 : memref<128x128xf32, #tpu.memory_space<vmem>>)
    %run_scoped3A_175 = arith.constant 1 : i32
    "tpu.region"() ({
      %run_scoped3A_176 = tpu.sem_alloc : memref<!tpu.dma_semaphore, #tpu.memory_space<semaphore_mem>>
      %dma_start3A_177 = arith.constant 0 : i32
      %dma_start3A_178 = arith.constant 0 : i32
      %dma_start3A_179 = tpu.memref_slice %arg11[%run_scoped3A_175, %dma_start3A_177, %dma_start3A_178] : memref<2x128x128xf32, #tpu.memory_space<vmem>> -> memref<1x128x128xf32, #tpu.memory_space<vmem>>
      %dma_start3A_180 = tpu.memref_squeeze %dma_start3A_179 : memref<1x128x128xf32, #tpu.memory_space<vmem>> -> memref<128x128xf32, #tpu.memory_space<vmem>>
      %dma_start3A_181 = arith.constant 0 : i32
      %dma_start3A_182 = tpu.memref_slice %arg7[%add3A_153, %dma_start3A_181] : memref<16384x128xf32, #tpu.memory_space<hbm>> -> memref<128x128xf32, #tpu.memory_space<hbm>>
      %dma_start3A_183 = arith.constant 0 : i32
      %dma_start3A_184 = tpu.memref_slice %arg7[%add3A_153, %dma_start3A_183] : memref<16384x128xf32, #tpu.memory_space<hbm>> -> memref<128x128xf32, #tpu.memory_space<hbm>>
      %dma_start3A_185 = arith.constant 0 : i32
      %dma_start3A_186 = arith.constant 0 : i32
      %dma_start3A_187 = tpu.memref_slice %arg11[%run_scoped3A_175, %dma_start3A_185, %dma_start3A_186] : memref<2x128x128xf32, #tpu.memory_space<vmem>> -> memref<1x128x128xf32, #tpu.memory_space<vmem>>
      %dma_start3A_188 = tpu.memref_squeeze %dma_start3A_187 : memref<1x128x128xf32, #tpu.memory_space<vmem>> -> memref<128x128xf32, #tpu.memory_space<vmem>>
      tpu.enqueue_dma source(%dma_start3A_188 : memref<128x128xf32, #tpu.memory_space<vmem>>) target(%dma_start3A_184 : memref<128x128xf32, #tpu.memory_space<hbm>>) target_semaphore(%run_scoped3A_176 : memref<!tpu.dma_semaphore, #tpu.memory_space<semaphore_mem>>)
      %dma_wait3A_189 = arith.constant 0 : i32
      %dma_wait3A_190 = arith.constant 0 : i32
      %dma_wait3A_191 = tpu.memref_slice %arg11[%run_scoped3A_175, %dma_wait3A_189, %dma_wait3A_190] : memref<2x128x128xf32, #tpu.memory_space<vmem>> -> memref<1x128x128xf32, #tpu.memory_space<vmem>>
      %dma_wait3A_192 = tpu.memref_squeeze %dma_wait3A_191 : memref<1x128x128xf32, #tpu.memory_space<vmem>> -> memref<128x128xf32, #tpu.memory_space<vmem>>
      %dma_wait3A_193 = arith.constant 0 : i32
      %dma_wait3A_194 = tpu.memref_slice %arg7[%add3A_153, %dma_wait3A_193] : memref<16384x128xf32, #tpu.memory_space<hbm>> -> memref<128x128xf32, #tpu.memory_space<hbm>>
      %dma_wait3A_195 = arith.constant 0 : i32
      %dma_wait3A_196 = tpu.memref_slice %arg7[%add3A_153, %dma_wait3A_195] : memref<16384x128xf32, #tpu.memory_space<hbm>> -> memref<128x128xf32, #tpu.memory_space<hbm>>
      %dma_wait3A_197 = arith.constant 0 : i32
      %dma_wait3A_198 = arith.constant 0 : i32
      %dma_wait3A_199 = tpu.memref_slice %arg11[%run_scoped3A_175, %dma_wait3A_197, %dma_wait3A_198] : memref<2x128x128xf32, #tpu.memory_space<vmem>> -> memref<1x128x128xf32, #tpu.memory_space<vmem>>
      %dma_wait3A_200 = tpu.memref_squeeze %dma_wait3A_199 : memref<1x128x128xf32, #tpu.memory_space<vmem>> -> memref<128x128xf32, #tpu.memory_space<vmem>>
      tpu.wait_dma2 semaphore(%run_scoped3A_176 : memref<!tpu.dma_semaphore, #tpu.memory_space<semaphore_mem>>) src(%dma_wait3A_200 : memref<128x128xf32, #tpu.memory_space<vmem>>) dst(%dma_wait3A_196 : memref<128x128xf32, #tpu.memory_space<hbm>>)
      tpu.yield
    }) : () -> ()
    return
  }
}

module attributes {stable_mosaic.version = 14 : i64} {
  func.func @_quad_body(%arg0: i32, %arg1: memref<64x32768xf32, #tpu.memory_space<vmem>>, %arg2: memref<8192x128xf32, #tpu.memory_space<vmem>>) attributes {dimension_semantics = [#tpu.dimension_semantics<arbitrary>], iteration_bounds = array<i64: 31>, scalar_prefetch = 0 : i64, scratch_operands = 0 : i64, tpu.core_type = #tpu.core_type<tc>, window_params = [{transform_indices = @transform_0, window_bounds = array<i64: 64, 32768>}, {transform_indices = @transform_1, window_bounds = array<i64: 8192, 128>}]} {
    %get3A = arith.constant 0 : index
    %get3A_0 = arith.constant 0 : index
    %get3A_1 = vector.load %arg1[%get3A, %get3A_0] : memref<64x32768xf32, #tpu.memory_space<vmem>>, vector<64x32768xf32>
    %convert_element_type3A = arith.truncf %get3A_1 : vector<64x32768xf32> to vector<64x32768xbf16>
    %transpose3A = tpu.transpose %convert_element_type3A, [1, 0] : vector<64x32768xbf16> -> vector<32768x64xbf16>
    %slice3A = vector.extract_strided_slice %transpose3A {offsets = [0, 0], sizes = [16384, 64], strides = [1, 1]} : vector<32768x64xbf16> to vector<16384x64xbf16>
    %slice3A_2 = vector.extract_strided_slice %transpose3A {offsets = [16384, 0], sizes = [16384, 64], strides = [1, 1]} : vector<32768x64xbf16> to vector<16384x64xbf16>
    %concatenate3A = tpu.concatenate %slice3A, %slice3A_2 in 1 : vector<16384x64xbf16>, vector<16384x64xbf16> -> vector<16384x128xbf16>
    %bitcast3A = tpu.bitcast %concatenate3A : vector<16384x128xbf16> -> vector<8192x128xf32>
    %swap3A = arith.constant 0 : index
    %swap3A_3 = arith.constant 0 : index
    %swap3A_4 = vector.load %arg2[%swap3A, %swap3A_3] : memref<8192x128xf32, #tpu.memory_space<vmem>>, vector<8192x128xf32>
    tpu.vector_store %arg2[%swap3A, %swap3A_3], %bitcast3A {strides = array<i32>} : memref<8192x128xf32, #tpu.memory_space<vmem>>, vector<8192x128xf32>,
    return
  }
  func.func @transform_0(%arg0: i32) -> (i32, i32) {
    %c0_i32 = arith.constant 0 : i32
    %c0_i32_0 = arith.constant 0 : i32
    return %c0_i32, %arg0 : i32, i32
  }
  func.func @transform_1(%arg0: i32) -> (i32, i32) {
    %c0_i32 = arith.constant 0 : i32
    %c0_i32_0 = arith.constant 0 : i32
    return %arg0, %c0_i32 : i32, i32
  }
}

module attributes {stable_mosaic.version = 14 : i64} {
  func.func @_quad_body(%arg0: i32, %arg1: memref<64x32768xf32, #tpu.memory_space<vmem>>, %arg2: memref<8192x128xf32, #tpu.memory_space<vmem>>) attributes {dimension_semantics = [#tpu.dimension_semantics<arbitrary>], iteration_bounds = array<i64: 4>, scalar_prefetch = 0 : i64, scratch_operands = 0 : i64, tpu.core_type = #tpu.core_type<tc>, window_params = [{transform_indices = @transform_0, window_bounds = array<i64: 64, 32768>}, {transform_indices = @transform_1, window_bounds = array<i64: 8192, 128>}]} {
    %get3A = arith.constant 0 : index
    %get3A_0 = arith.constant 0 : index
    %get3A_1 = vector.load %arg1[%get3A, %get3A_0] : memref<64x32768xf32, #tpu.memory_space<vmem>>, vector<64x32768xf32>
    %convert_element_type3A = arith.truncf %get3A_1 : vector<64x32768xf32> to vector<64x32768xbf16>
    %transpose3A = tpu.transpose %convert_element_type3A, [1, 0] : vector<64x32768xbf16> -> vector<32768x64xbf16>
    %slice3A = vector.extract_strided_slice %transpose3A {offsets = [0, 0], sizes = [16384, 64], strides = [1, 1]} : vector<32768x64xbf16> to vector<16384x64xbf16>
    %slice3A_2 = vector.extract_strided_slice %transpose3A {offsets = [16384, 0], sizes = [16384, 64], strides = [1, 1]} : vector<32768x64xbf16> to vector<16384x64xbf16>
    %concatenate3A = tpu.concatenate %slice3A, %slice3A_2 in 1 : vector<16384x64xbf16>, vector<16384x64xbf16> -> vector<16384x128xbf16>
    %bitcast3A = tpu.bitcast %concatenate3A : vector<16384x128xbf16> -> vector<8192x128xf32>
    %swap3A = arith.constant 0 : index
    %swap3A_3 = arith.constant 0 : index
    %swap3A_4 = vector.load %arg2[%swap3A, %swap3A_3] : memref<8192x128xf32, #tpu.memory_space<vmem>>, vector<8192x128xf32>
    tpu.vector_store %arg2[%swap3A, %swap3A_3], %bitcast3A {strides = array<i32>} : memref<8192x128xf32, #tpu.memory_space<vmem>>, vector<8192x128xf32>,
    return
  }
  func.func @transform_0(%arg0: i32) -> (i32, i32) {
    %c0_i32 = arith.constant 0 : i32
    %c0_i32_0 = arith.constant 0 : i32
    return %c0_i32, %arg0 : i32, i32
  }
  func.func @transform_1(%arg0: i32) -> (i32, i32) {
    %c0_i32 = arith.constant 0 : i32
    %c0_i32_0 = arith.constant 0 : i32
    return %arg0, %c0_i32 : i32, i32
  }
}

module attributes {stable_mosaic.version = 14 : i64} {
  func.func @_mlp_body(%arg0: i32, %arg1: memref<2048x128xf32, #tpu.memory_space<vmem>>, %arg2: memref<2048x128xf32, #tpu.memory_space<vmem>>, %arg3: memref<2048x1xf32, #tpu.memory_space<vmem>>, %arg4: memref<2048x1xf32, #tpu.memory_space<vmem>>, %arg5: memref<2048x1xf32, #tpu.memory_space<vmem>>, %arg6: memref<2048x1xf32, #tpu.memory_space<vmem>>, %arg7: memref<64x128xf32, #tpu.memory_space<vmem>>, %arg8: memref<64x128xf32, #tpu.memory_space<vmem>>, %arg9: memref<1x128xf32, #tpu.memory_space<vmem>>, %arg10: memref<128x64xf32, #tpu.memory_space<vmem>>, %arg11: memref<1x64xf32, #tpu.memory_space<vmem>>, %arg12: memref<1x64xf32, #tpu.memory_space<vmem>>, %arg13: memref<1x1xf32, #tpu.memory_space<vmem>>, %arg14: memref<1x2048xf32, #tpu.memory_space<vmem>>) attributes {dimension_semantics = [#tpu.dimension_semantics<arbitrary>], iteration_bounds = array<i64: 8>, scalar_prefetch = 0 : i64, scratch_operands = 0 : i64, tpu.core_type = #tpu.core_type<tc>, window_params = [{transform_indices = @transform_0, window_bounds = array<i64: 2048, 128>}, {transform_indices = @transform_1, window_bounds = array<i64: 2048, 128>}, {transform_indices = @transform_2, window_bounds = array<i64: 2048, 1>}, {transform_indices = @transform_3, window_bounds = array<i64: 2048, 1>}, {transform_indices = @transform_4, window_bounds = array<i64: 2048, 1>}, {transform_indices = @transform_5, window_bounds = array<i64: 2048, 1>}, {pipeline_mode = #tpu.pipeline_mode<synchronous>, transform_indices = @transform_6, window_bounds = array<i64: 64, 128>}, {pipeline_mode = #tpu.pipeline_mode<synchronous>, transform_indices = @transform_7, window_bounds = array<i64: 64, 128>}, {pipeline_mode = #tpu.pipeline_mode<synchronous>, transform_indices = @transform_8, window_bounds = array<i64: 1, 128>}, {pipeline_mode = #tpu.pipeline_mode<synchronous>, transform_indices = @transform_9, window_bounds = array<i64: 128, 64>}, {pipeline_mode = #tpu.pipeline_mode<synchronous>, transform_indices = @transform_10, window_bounds = array<i64: 1, 64>}, {pipeline_mode = #tpu.pipeline_mode<synchronous>, transform_indices = @transform_11, window_bounds = array<i64: 1, 64>}, {pipeline_mode = #tpu.pipeline_mode<synchronous>, transform_indices = @transform_12, window_bounds = array<i64: 1, 1>}, {transform_indices = @transform_13, window_bounds = array<i64: 1, 2048>}]} {
    %get3A = arith.constant 0 : index
    %get3A_0 = arith.constant 0 : index
    %get3A_1 = vector.load %arg1[%get3A, %get3A_0] : memref<2048x128xf32, #tpu.memory_space<vmem>>, vector<2048x128xf32>
    %bitcast3A = tpu.bitcast %get3A_1 : vector<2048x128xf32> -> vector<4096x128xbf16>
    %reshape3A = vector.shape_cast %bitcast3A : vector<4096x128xbf16> to vector<2048x2x128xbf16>
    %convert_element_type3A = arith.extf %reshape3A : vector<2048x2x128xbf16> to vector<2048x2x128xf32>
    %slice3A = vector.extract_strided_slice %convert_element_type3A {offsets = [0, 0, 0], sizes = [2048, 1, 128], strides = [1, 1, 1]} : vector<2048x2x128xf32> to vector<2048x1x128xf32>
    %squeeze3A = vector.shape_cast %slice3A : vector<2048x1x128xf32> to vector<2048x128xf32>
    %slice3A_2 = vector.extract_strided_slice %convert_element_type3A {offsets = [0, 1, 0], sizes = [2048, 1, 128], strides = [1, 1, 1]} : vector<2048x2x128xf32> to vector<2048x1x128xf32>
    %squeeze3A_3 = vector.shape_cast %slice3A_2 : vector<2048x1x128xf32> to vector<2048x128xf32>
    %get3A_4 = arith.constant 0 : index
    %get3A_5 = arith.constant 0 : index
    %get3A_6 = vector.load %arg3[%get3A_4, %get3A_5] : memref<2048x1xf32, #tpu.memory_space<vmem>>, vector<2048x1xf32>
    %sub3A = arith.subf %squeeze3A_3, %squeeze3A : vector<2048x128xf32>
    %mul3A = vector.broadcast %get3A_6 : vector<2048x1xf32> to vector<2048x128xf32>
    %mul3A_7 = arith.mulf %mul3A, %sub3A : vector<2048x128xf32>
    %add3A = arith.addf %squeeze3A, %mul3A_7 : vector<2048x128xf32>
    %slice3A_8 = vector.extract_strided_slice %add3A {offsets = [0, 0], sizes = [2048, 64], strides = [1, 1]} : vector<2048x128xf32> to vector<2048x64xf32>
    %get3A_9 = arith.constant 0 : index
    %get3A_10 = arith.constant 0 : index
    %get3A_11 = vector.load %arg4[%get3A_9, %get3A_10] : memref<2048x1xf32, #tpu.memory_space<vmem>>, vector<2048x1xf32>
    %slice3A_12 = vector.extract_strided_slice %add3A {offsets = [0, 64], sizes = [2048, 64], strides = [1, 1]} : vector<2048x128xf32> to vector<2048x64xf32>
    %slice3A_13 = vector.extract_strided_slice %add3A {offsets = [0, 0], sizes = [2048, 64], strides = [1, 1]} : vector<2048x128xf32> to vector<2048x64xf32>
    %sub3A_14 = arith.subf %slice3A_12, %slice3A_13 : vector<2048x64xf32>
    %mul3A_15 = vector.broadcast %get3A_11 : vector<2048x1xf32> to vector<2048x64xf32>
    %mul3A_16 = arith.mulf %mul3A_15, %sub3A_14 : vector<2048x64xf32>
    %add3A_17 = arith.addf %slice3A_8, %mul3A_16 : vector<2048x64xf32>
    %get3A_18 = arith.constant 0 : index
    %get3A_19 = arith.constant 0 : index
    %get3A_20 = vector.load %arg2[%get3A_18, %get3A_19] : memref<2048x128xf32, #tpu.memory_space<vmem>>, vector<2048x128xf32>
    %bitcast3A_21 = tpu.bitcast %get3A_20 : vector<2048x128xf32> -> vector<4096x128xbf16>
    %reshape3A_22 = vector.shape_cast %bitcast3A_21 : vector<4096x128xbf16> to vector<2048x2x128xbf16>
    %convert_element_type3A_23 = arith.extf %reshape3A_22 : vector<2048x2x128xbf16> to vector<2048x2x128xf32>
    %slice3A_24 = vector.extract_strided_slice %convert_element_type3A_23 {offsets = [0, 0, 0], sizes = [2048, 1, 128], strides = [1, 1, 1]} : vector<2048x2x128xf32> to vector<2048x1x128xf32>
    %squeeze3A_25 = vector.shape_cast %slice3A_24 : vector<2048x1x128xf32> to vector<2048x128xf32>
    %slice3A_26 = vector.extract_strided_slice %convert_element_type3A_23 {offsets = [0, 1, 0], sizes = [2048, 1, 128], strides = [1, 1, 1]} : vector<2048x2x128xf32> to vector<2048x1x128xf32>
    %squeeze3A_27 = vector.shape_cast %slice3A_26 : vector<2048x1x128xf32> to vector<2048x128xf32>
    %get3A_28 = arith.constant 0 : index
    %get3A_29 = arith.constant 0 : index
    %get3A_30 = vector.load %arg5[%get3A_28, %get3A_29] : memref<2048x1xf32, #tpu.memory_space<vmem>>, vector<2048x1xf32>
    %sub3A_31 = arith.subf %squeeze3A_27, %squeeze3A_25 : vector<2048x128xf32>
    %mul3A_32 = vector.broadcast %get3A_30 : vector<2048x1xf32> to vector<2048x128xf32>
    %mul3A_33 = arith.mulf %mul3A_32, %sub3A_31 : vector<2048x128xf32>
    %add3A_34 = arith.addf %squeeze3A_25, %mul3A_33 : vector<2048x128xf32>
    %slice3A_35 = vector.extract_strided_slice %add3A_34 {offsets = [0, 0], sizes = [2048, 64], strides = [1, 1]} : vector<2048x128xf32> to vector<2048x64xf32>
    %get3A_36 = arith.constant 0 : index
    %get3A_37 = arith.constant 0 : index
    %get3A_38 = vector.load %arg6[%get3A_36, %get3A_37] : memref<2048x1xf32, #tpu.memory_space<vmem>>, vector<2048x1xf32>
    %slice3A_39 = vector.extract_strided_slice %add3A_34 {offsets = [0, 64], sizes = [2048, 64], strides = [1, 1]} : vector<2048x128xf32> to vector<2048x64xf32>
    %slice3A_40 = vector.extract_strided_slice %add3A_34 {offsets = [0, 0], sizes = [2048, 64], strides = [1, 1]} : vector<2048x128xf32> to vector<2048x64xf32>
    %sub3A_41 = arith.subf %slice3A_39, %slice3A_40 : vector<2048x64xf32>
    %mul3A_42 = vector.broadcast %get3A_38 : vector<2048x1xf32> to vector<2048x64xf32>
    %mul3A_43 = arith.mulf %mul3A_42, %sub3A_41 : vector<2048x64xf32>
    %add3A_44 = arith.addf %slice3A_35, %mul3A_43 : vector<2048x64xf32>
    %get3A_45 = arith.constant 0 : index
    %get3A_46 = arith.constant 0 : index
    %get3A_47 = vector.load %arg7[%get3A_45, %get3A_46] : memref<64x128xf32, #tpu.memory_space<vmem>>, vector<64x128xf32>
    %dot_general3A = arith.constant dense<0.000000e+00> : vector<2048x128xf32>
    %dot_general3A_48 = tpu.matmul %add3A_17, %get3A_47, %dot_general3A {dimension_numbers = #tpu.dot_dimension_numbers<[1], [0], [0], [1], [0, 0, 1, 1], [], []>, transpose_lhs_hint = false} : vector<2048x64xf32>, vector<64x128xf32>, vector<2048x128xf32> -> vector<2048x128xf32>
    %get3A_49 = arith.constant 0 : index
    %get3A_50 = arith.constant 0 : index
    %get3A_51 = vector.load %arg8[%get3A_49, %get3A_50] : memref<64x128xf32, #tpu.memory_space<vmem>>, vector<64x128xf32>
    %dot_general3A_52 = arith.constant dense<0.000000e+00> : vector<2048x128xf32>
    %dot_general3A_53 = tpu.matmul %add3A_44, %get3A_51, %dot_general3A_52 {dimension_numbers = #tpu.dot_dimension_numbers<[1], [0], [0], [1], [0, 0, 1, 1], [], []>, transpose_lhs_hint = false} : vector<2048x64xf32>, vector<64x128xf32>, vector<2048x128xf32> -> vector<2048x128xf32>
    %add3A_54 = arith.addf %dot_general3A_48, %dot_general3A_53 : vector<2048x128xf32>
    %get3A_55 = arith.constant 0 : index
    %get3A_56 = arith.constant 0 : index
    %get3A_57 = vector.load %arg9[%get3A_55, %get3A_56] : memref<1x128xf32, #tpu.memory_space<vmem>>, vector<1x128xf32>
    %add3A_58 = vector.broadcast %get3A_57 : vector<1x128xf32> to vector<2048x128xf32>
    %add3A_59 = arith.addf %add3A_54, %add3A_58 : vector<2048x128xf32>
    %max3A = arith.constant 0.000000e+00 : f32
    %max3A_60 = vector.broadcast %max3A : f32 to vector<2048x128xf32>
    %max3A_61 = arith.maximumf %add3A_59, %max3A_60 : vector<2048x128xf32>
    %get3A_62 = arith.constant 0 : index
    %get3A_63 = arith.constant 0 : index
    %get3A_64 = vector.load %arg10[%get3A_62, %get3A_63] : memref<128x64xf32, #tpu.memory_space<vmem>>, vector<128x64xf32>
    %dot_general3A_65 = arith.constant dense<0.000000e+00> : vector<2048x64xf32>
    %dot_general3A_66 = tpu.matmul %max3A_61, %get3A_64, %dot_general3A_65 {dimension_numbers = #tpu.dot_dimension_numbers<[1], [0], [0], [1], [0, 0, 1, 1], [], []>, transpose_lhs_hint = false} : vector<2048x128xf32>, vector<128x64xf32>, vector<2048x64xf32> -> vector<2048x64xf32>
    %get3A_67 = arith.constant 0 : index
    %get3A_68 = arith.constant 0 : index
    %get3A_69 = vector.load %arg11[%get3A_67, %get3A_68] : memref<1x64xf32, #tpu.memory_space<vmem>>, vector<1x64xf32>
    %add3A_70 = vector.broadcast %get3A_69 : vector<1x64xf32> to vector<2048x64xf32>
    %add3A_71 = arith.addf %dot_general3A_66, %add3A_70 : vector<2048x64xf32>
    %max3A_72 = arith.constant 0.000000e+00 : f32
    %max3A_73 = vector.broadcast %max3A_72 : f32 to vector<2048x64xf32>
    %max3A_74 = arith.maximumf %add3A_71, %max3A_73 : vector<2048x64xf32>
    %get3A_75 = arith.constant 0 : index
    %get3A_76 = arith.constant 0 : index
    %get3A_77 = vector.load %arg12[%get3A_75, %get3A_76] : memref<1x64xf32, #tpu.memory_space<vmem>>, vector<1x64xf32>
    %mul3A_78 = vector.broadcast %get3A_77 : vector<1x64xf32> to vector<2048x64xf32>
    %mul3A_79 = arith.mulf %max3A_74, %mul3A_78 : vector<2048x64xf32>
    %reduce_sum3A = arith.constant dense<0.000000e+00> : vector<2048xf32>
    %reduce_sum3A_80 = vector.multi_reduction <add>, %mul3A_79, %reduce_sum3A [1] : vector<2048x64xf32> to vector<2048xf32>
    %get3A_81 = arith.constant 0 : index
    %get3A_82 = arith.constant 0 : index
    %get3A_83 = vector.load %arg13[%get3A_81, %get3A_82] : memref<1x1xf32, #tpu.memory_space<vmem>>, vector<1x1xf32>
    %get3A_84 = vector.extract %get3A_83[0, 0] : f32 from vector<1x1xf32>
    %add3A_85 = vector.broadcast %get3A_84 : f32 to vector<2048xf32>
    %add3A_86 = arith.addf %reduce_sum3A_80, %add3A_85 : vector<2048xf32>
    %broadcast_in_dim3A = vector.shape_cast %add3A_86 : vector<2048xf32> to vector<1x2048xf32>
    %swap3A = arith.constant 0 : index
    %swap3A_87 = arith.constant 0 : index
    %swap3A_88 = vector.load %arg14[%swap3A, %swap3A_87] : memref<1x2048xf32, #tpu.memory_space<vmem>>, vector<1x2048xf32>
    tpu.vector_store %arg14[%swap3A, %swap3A_87], %broadcast_in_dim3A {strides = array<i32>} : memref<1x2048xf32, #tpu.memory_space<vmem>>, vector<1x2048xf32>,
    return
  }
  func.func @transform_0(%arg0: i32) -> (i32, i32) {
    %c0_i32 = arith.constant 0 : i32
    %c0_i32_0 = arith.constant 0 : i32
    return %arg0, %c0_i32 : i32, i32
  }
  func.func @transform_1(%arg0: i32) -> (i32, i32) {
    %c0_i32 = arith.constant 0 : i32
    %c0_i32_0 = arith.constant 0 : i32
    return %arg0, %c0_i32 : i32, i32
  }
  func.func @transform_2(%arg0: i32) -> (i32, i32) {
    %c0_i32 = arith.constant 0 : i32
    %c0_i32_0 = arith.constant 0 : i32
    return %arg0, %c0_i32 : i32, i32
  }
  func.func @transform_3(%arg0: i32) -> (i32, i32) {
    %c0_i32 = arith.constant 0 : i32
    %c0_i32_0 = arith.constant 0 : i32
    return %arg0, %c0_i32 : i32, i32
  }
  func.func @transform_4(%arg0: i32) -> (i32, i32) {
    %c0_i32 = arith.constant 0 : i32
    %c0_i32_0 = arith.constant 0 : i32
    return %arg0, %c0_i32 : i32, i32
  }
  func.func @transform_5(%arg0: i32) -> (i32, i32) {
    %c0_i32 = arith.constant 0 : i32
    %c0_i32_0 = arith.constant 0 : i32
    return %arg0, %c0_i32 : i32, i32
  }
  func.func @transform_6(%arg0: i32) -> (i32, i32) {
    %c0_i32 = arith.constant 0 : i32
    %c0_i32_0 = arith.constant 0 : i32
    %c0_i32_1 = arith.constant 0 : i32
    return %c0_i32, %c0_i32_0 : i32, i32
  }
  func.func @transform_7(%arg0: i32) -> (i32, i32) {
    %c0_i32 = arith.constant 0 : i32
    %c0_i32_0 = arith.constant 0 : i32
    %c0_i32_1 = arith.constant 0 : i32
    return %c0_i32, %c0_i32_0 : i32, i32
  }
  func.func @transform_8(%arg0: i32) -> (i32, i32) {
    %c0_i32 = arith.constant 0 : i32
    %c0_i32_0 = arith.constant 0 : i32
    %c0_i32_1 = arith.constant 0 : i32
    return %c0_i32, %c0_i32_0 : i32, i32
  }
  func.func @transform_9(%arg0: i32) -> (i32, i32) {
    %c0_i32 = arith.constant 0 : i32
    %c0_i32_0 = arith.constant 0 : i32
    %c0_i32_1 = arith.constant 0 : i32
    return %c0_i32, %c0_i32_0 : i32, i32
  }
  func.func @transform_10(%arg0: i32) -> (i32, i32) {
    %c0_i32 = arith.constant 0 : i32
    %c0_i32_0 = arith.constant 0 : i32
    %c0_i32_1 = arith.constant 0 : i32
    return %c0_i32, %c0_i32_0 : i32, i32
  }
  func.func @transform_11(%arg0: i32) -> (i32, i32) {
    %c0_i32 = arith.constant 0 : i32
    %c0_i32_0 = arith.constant 0 : i32
    %c0_i32_1 = arith.constant 0 : i32
    return %c0_i32, %c0_i32_0 : i32, i32
  }
  func.func @transform_12(%arg0: i32) -> (i32, i32) {
    %c0_i32 = arith.constant 0 : i32
    %c0_i32_0 = arith.constant 0 : i32
    %c0_i32_1 = arith.constant 0 : i32
    return %c0_i32, %c0_i32_0 : i32, i32
  }
  func.func @transform_13(%arg0: i32) -> (i32, i32) {
    %c0_i32 = arith.constant 0 : i32
    %c0_i32_0 = arith.constant 0 : i32
    return %c0_i32, %arg0 : i32, i32
  }
}

</mosaic_0001>

<sc_bundles>
// kernel: kernel.6.cloned.1.call-start
scs
__scs_entry_jumppad:
0x0: {  	(pc) =	sbr.rel $0x88, $3  }
0x1: {  	(tag) =	ssettag $0x0;
	lr =	simm.s32 $0x1  }
0x2: {  	[smem:$0x3F97] =	sst lr;
	_ =	strace $0xD0000000  }
0x3: {  	_ = 	snop  }
0x4: {  	_ = 	snop  }
0x5: {  	_ = 	snop  }
0x6: {  	_ = 	snop  }
0x7: {  	_ = 	snop  }
__scs_overlays_trampoline_lowered:
0x8: {  	[smem:$0x3FA6] =	sst s0  }
0x9: {  	[smem:$0x3FA7] =	sst s1  }
0xa: {  	[smem:$0x3FA8] =	sst s2  }
0xb: {  	[smem:$0x3FA9] =	sst s3  }
0xc: {  	[smem:$0x3FAA] =	sst s4  }
0xd: {  	[smem:$0x3FAB] =	sst s5  }
0xe: {  	[smem:$0x3FAC] =	sst s6  }
0xf: {  	[smem:$0x3FAD] =	sst s7  }
0x10: {  	[smem:$0x3FAE] =	sst s8  }
0x11: {  	[smem:$0x3FAF] =	sst s9;
	s0 =	simm.s32 @!p0 $0x0  }
0x12: {  	s1 =	sld [smem:$0x3F95];
	s0 =	simm.s32 @p0 $0x1  }
0x13: {  	[smem:$0x3FB0] =	sst s0;
	s0 =	simm.s32 @!p1 $0x0  }
0x14: {  	s2 =	sld [smem:$0x3F94];
	s0 =	simm.s32 @p1 $0x1  }
0x15: {  	[smem:$0x3FB1] =	sst s0;
	s0 =	simm.s32 @!p2 $0x0  }
0x16: {  	s3 =	sld [smem:$0x3FDB];
	s0 =	simm.s32 @p2 $0x1  }
0x17: {  	s4 =	simm.s32 $0x1BF5;
	[smem:$0x3FB3] =	sst s0  }
0x18: {  	s0 =	sld [smem:$0x3F96];
	_ =	swait.ge [sflag:s4], $0x0  }
0x19: {  	s7 =	sld [smem:$0x3F97]  }
0x1a: {  	s8 =	sadd.s32 $0xFFFFE003, lr  }
0x1b: {  	s9 =	sadd.s32 $0xFFFFFEF7, lr;
	s5 =	simm.s32 $0xFFFFFFFF;
	p2 =	slt.u32 s8, $0xFFFFF086  }
0x1c: {  	p1 =	slt.u32 s9, $0xF7A;
	s5 =	simm.s32 @!p2 $0x0  }
0x1d: {  	s5 =	simm.s32 @p1 $0x1;
	p0 =	seq.s32 s7, s2  }
0x1e: {  	s7 =	smul.u32 @!p0 $0xF7A, s2;
	p2 =	seq.s32 @!p0 s5, $0x0  }
0x1f: {  	s9 =	smul.u32 $0xF7A, s1;
	s8 =	simm.s32 @!p0 $0x1BF5;
	p2 =	por !p2, p0  }
0x20: {  	[sflag:s8] =	ssyncset.s32 @!p0 $0xFFFFF086;
	s6 =	sadd.s32 @!p0 s3, s7;
	s7 =	simm.s32 @!p0 $0x108  }
0x21: {  	s3 =	sadd.s32 s3, s9;
	s6 =	sadd.s32 @!p0 $0x88, s6;
	s7 =	simm.s32 @p2 $0x1082  }
0x22: {  	[simem:s7], [sflag:s8] =	dma.local @!p0 [hbm:s6], $0xF7A  }
0x23: {  	s9 =	sor.u32 $0xD0000000, s2;
	s6 =	simm.s32 $0x108;
	_ =	swait.ge @!p0 [sflag:s8], $0x0  }
0x24: {  	s3 =	sadd.s32 $0x88, s3;
	s6 =	simm.s32 @!p1 $0x1082;
	[sflag:s4] =	ssyncset.s32 $0xFFFFF086  }
0x25: {  	[simem:s6], [sflag:s4] =	dma.local [hbm:s3], $0xF7A  }
0x26: {  	[smem:$0x3F97] =	sst s1;
	(tag) =	ssettag s2;
	_ =	strace s9  }
0x27: {  	s1 =	sld [smem:$0x3FA7]  }
0x28: {  	s2 =	sld [smem:$0x3FA8]  }
0x29: {  	s4 =	sld [smem:$0x3FAA]  }
0x2a: {  	p0 =	seq.s32 s5, $0x0;
	s5 =	sld [smem:$0x3FAB]  }
0x2b: {  	s6 =	sld [smem:$0x3FAC]  }
0x2c: {  	s7 =	sld [smem:$0x3FAD]  }
0x2d: {  	s3 =	simm.s32 $0x108;
	s8 =	sld [smem:$0x3FAE]  }
0x2e: {  	s3 =	simm.s32 @!p0 $0x1082;
	s9 =	sld [smem:$0x3FAF]  }
0x2f: {  	lr =	sadd.s32 s0, s3;
	s0 =	sld [smem:$0x3FA6]  }
0x30: {  	s3 =	sld [smem:$0x3FA9]  }
0x31: {  	[smem:$0x3FB2] =	sst s10  }
0x32: {  	s10 =	sld [smem:$0x3FB0];
	_ =	sdelay $0x3  }
0x33: {  	p0 =	seq.s32 s10, $0x1;
	s10 =	sld [smem:$0x3FB2];
	_ =	sdelay $0x3  }
0x34: {  	[smem:$0x3FB2] =	sst s10  }
0x35: {  	s10 =	sld [smem:$0x3FB1];
	_ =	sdelay $0x3  }
0x36: {  	p1 =	seq.s32 s10, $0x1;
	s10 =	sld [smem:$0x3FB2];
	_ =	sdelay $0x3  }
0x37: {  	[smem:$0x3FB2] =	sst s10  }
0x38: {  	s10 =	sld [smem:$0x3FB3]  }
0x39: {  	_ = 	snop;
	(pc) =	sbr.ind lr, $3  }
0x3a: {  	_ = 	snop  }
0x3b: {  	_ = 	snop  }
0x3c: {  	p2 =	seq.s32 s10, $0x1;
	s10 =	sld [smem:$0x3FB2]  }
0x3d: {  	_ =	shalt  }
0x3e: {  	_ =	shalt  }
0x3f: {  	_ =	shalt  }
0x40: {  	_ =	shalt  }
0x41: {  	_ =	shalt  }
0x42: {  	_ =	shalt  }
0x43: {  	_ =	shalt  }
0x44: {  	_ =	shalt  }
0x45: {  	_ =	shalt  }
0x46: {  	_ =	shalt  }
0x47: {  	_ =	shalt  }
0x48: {  	_ =	shalt  }
0x49: {  	_ =	shalt  }
0x4a: {  	_ =	shalt  }
0x4b: {  	_ =	shalt  }
0x4c: {  	_ =	shalt  }
0x4d: {  	_ =	shalt  }
0x4e: {  	_ =	shalt  }
0x4f: {  	_ =	shalt  }
0x50: {  	_ =	shalt  }
0x51: {  	_ =	shalt  }
0x52: {  	_ =	shalt  }
0x53: {  	_ =	shalt  }
0x54: {  	_ =	shalt  }
0x55: {  	_ =	shalt  }
0x56: {  	_ =	shalt  }
0x57: {  	_ =	shalt  }
0x58: {  	_ =	shalt  }
0x59: {  	_ =	shalt  }
0x5a: {  	_ =	shalt  }
0x5b: {  	_ =	shalt  }
0x5c: {  	_ =	shalt  }
0x5d: {  	_ =	shalt  }
0x5e: {  	_ =	shalt  }
0x5f: {  	_ =	shalt  }
0x60: {  	_ =	shalt  }
0x61: {  	_ =	shalt  }
0x62: {  	_ =	shalt  }
0x63: {  	_ =	shalt  }
0x64: {  	_ =	shalt  }
0x65: {  	_ =	shalt  }
0x66: {  	_ =	shalt  }
0x67: {  	_ =	shalt  }
0x68: {  	_ =	shalt  }
0x69: {  	_ =	shalt  }
0x6a: {  	_ =	shalt  }
0x6b: {  	_ =	shalt  }
0x6c: {  	_ =	shalt  }
0x6d: {  	_ =	shalt  }
0x6e: {  	_ =	shalt  }
0x6f: {  	_ =	shalt  }
0x70: {  	_ =	shalt  }
0x71: {  	_ =	shalt  }
0x72: {  	_ =	shalt  }
0x73: {  	_ =	shalt  }
0x74: {  	_ =	shalt  }
0x75: {  	_ =	shalt  }
0x76: {  	_ =	shalt  }
0x77: {  	_ =	shalt  }
0x78: {  	_ =	shalt  }
0x79: {  	_ =	shalt  }
0x7a: {  	_ =	shalt  }
0x7b: {  	_ =	shalt  }
0x7c: {  	_ =	shalt  }
0x7d: {  	_ =	shalt  }
0x7e: {  	_ =	shalt  }
0x7f: {  	_ =	shalt  }
0x80: {  	_ =	shalt  }
0x81: {  	_ =	shalt  }
0x82: {  	_ =	shalt  }
0x83: {  	_ =	shalt  }
0x84: {  	_ =	shalt  }
0x85: {  	_ =	shalt  }
0x86: {  	_ =	shalt  }
0x87: {  	_ =	shalt  }
.Lfunc_end0:
.L_simem_size_0:
called_computation_lowered:
.L_overlay_start_0:
0x88: {  	s2 =	sld [smem:$0x3FD9]  }
0x89: {  	s3 =	sld [smem:$0x3FFE];
	_ =	sdelay $0x1  }
0x8a: {  	s1 =	srdreg.scid  }
0x8b: {  	s0 =	sand.u32 $0x1, s1  }
0x8c: {  	s17 =	sshll.u32 s0, $0xA;
	s2 =	sadd.s32 s3, s2  }
0x8d: {  	s2 =	sadd.s32 s2, s17  }
0x8e: {  	[smem:$0x3FBE] =	sst s2  }
0x8f: {  	_ = 	snop  }
0x90: {  	s2 =	sld [smem:$0x3FD0];
	(tm) =	ssettm $0x1  }
0x91: {  	s18 =	sld [smem:$0x3FFB];
	_ =	sdelay $0x3  }
0x92: {  	_ =	strace s18  }
0x93: {  	s3 =	sld [smem:$0x3FFC];
	_ =	sdelay $0x3  }
0x94: {  	_ =	strace s3  }
0x95: {  	s3 =	sld [smem:$0x3FFD];
	_ =	sdelay $0x3  }
0x96: {  	_ =	strace s3  }
0x97: {  	_ =	strace $0x8FFFFFFF  }
0x98: {  	s19 =	sld [smem:$0x3FDB];
	_ =	sdelay $0x1  }
0x99: {  	s4 =	simm.s32 $_scs_section_size  }
0x9a: {  	s5 =	simm.s32 $_size__tile_overlayer_lowered;
	s6 =	simm.s32 $_tile_overlayer_lowered  }
0x9b: {  	s22 =	simm.s32 $0x1BFF;
	s21 =	sshll.u32 s6, $0x1;
	s3 =	sadd.s32 s4, s19  }
0x9c: {  	s7 =	simm.s32 $0x0;
	s20 =	sshll.u32 s5, $0x1;
	s5 =	sadd.s32 s21, s3  }
0x9d: {  	[timem:s7], [sflag:s22] =	dma.local [hbm:s5], s20  }
0x9e: {  	_ =	swait.ge [sflag:s22], s20  }
0x9f: {  	s4 =	ssub.s32 $0x0, s20;
	[sflag:s22] =	ssyncset.done $0x0  }
0xa0: {  	[sflag:s22] =	ssyncadd.s32 s4;
	_ =	sdelay $0x1  }
0xa1: {  	s23 =	simm.s32 $0x1B8B  }
0xa2: {  	_ =	swait.ge [sflag:s23], $0x1  }
0xa3: {  	[sflag:s23] =	ssyncset.done $0x0  }
0xa4: {  	s25 =	simm.s32 $0x1B8E;
	s24 =	sld [smem:$0x3FFE];
	[sflag:s23] =	ssyncadd.s32 $0xFFFFFFFF  }
0xa5: {  	s26 =	simm.s32 $execute0_lowered;
	[smem:$0x3FD2] =	sst s25  }
0xa6: {  	s5 =	sshll.u32 s26, $0x1;
	_ =	strace $0x80000046;
	[dreg:$0x1] =	wrdreg $0xFFFFFFFF  }
0xa7: {  	s28 =	simm.s32 $_size_execute0_lowered;
	s3 =	sadd.s32 s3, s5;
	[dreg:$0x0] =	wrdreg $0x0  }
0xa8: {  	s5 =	sshll.u32 s28, $0x1;
	[dreg:$0x2] =	wrdreg s3  }
0xa9: {  	[dreg:$0x3] =	wrdreg s5  }
0xaa: {  	[dreg:$0x4] =	wrdreg $0xC0  }
0xab: {  	_ =	task [dreg:s7], $0x5FFFF  }
0xac: {  	[dreg:$0x1] =	wrdreg $0xFFFFFFFF  }
0xad: {  	[dreg:$0x0] =	wrdreg $0x60  }
0xae: {  	[dreg:$0x2] =	wrdreg s2  }
0xaf: {  	[dreg:$0x3] =	wrdreg s24  }
0xb0: {  	[dreg:$0x4] =	wrdreg $0x9  }
0xb1: {  	_ =	task.clear_ibuf [dreg:s7], $0x5FFFF;
	_ =	strace $0x90000046  }
0xb2: {  	s29 =	simm.s32 $0x9;
	_ =	strace $0x80000048  }
0xb3: {  	_ =	swait.ge [sflag:s29], $0x1  }
0xb4: {  	[sflag:s29] =	ssyncadd.s32 $0xFFFFFFFF  }
0xb5: {  	_ =	strace $0x90000048  }
0xb6: {  	_ =	sfence  }
0xb7: {  	s30 =	sld [smem:$0x0];
	_ =	sdelay $0x2  }
0xb8: {  	s31 =	sshll.u32 s1, $0xD;
	s1 =	sshrl.u32 s1, $0x2  }
0xb9: {  	s3 =	sand.u32 $0x4000, s31;
	s1 =	sadd.s32 s1, s30  }
0xba: {  	s0 =	sor.u32 s3, s0;
	s1 =	sshll.u32 s1, $0x11  }
0xbb: {  	s0 =	sor.u32 s1, s0  }
0xbc: {  	s0 =	sadd.s32 $0x8F2B, s0  }
0xbd: {  	[sflag:s0] =	ssyncadd.remote.s32 $0x1  }
0xbe: {  	_ =	sfence.sel $0xFFFF  }
0xbf: {  	[dreg:$0x0] =	wrdreg $0xFFFFFFFF;
	(pc) =	sbr.abs _section_cstart, $3  }
0xc0: {  	[dreg:$0x1] =	wrdreg $0xFFFFFFFF  }
0xc1: {  	_ =	task.clear_ibuf [dreg:s7], $0x2FFFF;
	_ =	strace $0x9FFFFFFF  }
0xc2: {  	(tm) =	ssettm $0x7FFFFFFF  }
0xc3: {  	_ =	shalt  }
tec
execute0_lowered:
.L_overlay_start_1:
0x0: {  	(tag) =	ssettag $0x1  }
0x1: {  	s1 =	srdreg.scid  }
0x2: {  	s0 =	stileid.u32;
	s30 =	sand.u32 $0x1, s1  }
0x3: {  	s26 =	sshll.u32 s0, $0xA;
	s4 =	sshll.u32 s30, $0x9  }
0x4: {  	s3 =	rddreg [dreg:$0x0];
	s1 =	sor.u32 s4, s26  }
0x5: {  	s17 =	rddreg [dreg:$0x1];
	s2 =	simm.s32 $0x0;
	s4 =	sshrl.u32 s1, $0x3  }
0x6: {  	[smem:$0x7FF] =	sst s2;
	s3 =	sadd.s32 s3, s4  }
0x7: {  	_ =	strace $0x80000047;
	[dreg:$0x3] =	wrdreg s3  }
0x8: {  	s3 =	simm.s32 $0x5;
	s5 =	rddreg [dreg:$0x3]  }
0x9: {  	[tilespmem:s2], [sflag:$0x5] =	stream.linear.gather [hbm4b:s5+s2], $0x200, $0x38;
	[tilespmem:$0x10400] =	vst v63  }
0xa: {  	_ =	swait.ge [sflag:s3], $0x200  }
0xb: {  	s4 =	sadd.s32 s4, s17;
	[sflag:s3] =	ssyncset.done $0x0  }
0xc: {  	s4 =	sadd.s32 $0x462000, s4;
	s5 =	simm.s32 $0x200;
	[sflag:s3] =	ssyncadd.s32 $0xFFFFFE00  }
0xd: {  	[tilespmem:s5], [sflag:$0x5] =	stream.linear.gather [hbm4b:s4+s2], $0x200, $0x38;
	[tilespmem:$0x10400] =	vst v63  }
0xe: {  	_ =	swait.ge [sflag:s3], $0x200  }
0xf: {  	s7 =	simm.s32 $0x80;
	[sflag:s3] =	ssyncset.done $0x0  }
0x10: {  	s8 =	simm.s32 $0x400;
	s6 =	sadd.s32 $0x2000, s17;
	[sflag:s3] =	ssyncadd.s32 $0xFFFFFE00  }
0x11: {  	[tilespmem:s8], [sflag:$0x1] =	stream.indirect.gather [hbm4b:s6+s7], $0x80, s2, s7, $0xb8;
	[tilespmem:$0x10400] =	vst v63  }
0x12: {  	s10 =	simm.s32 $0x8400;
	s9 =	sadd.s32 $0x3E2000, s17  }
0x13: {  	[tilespmem:s10], [sflag:$0x3] =	stream.indirect.gather [hbm4b:s9+s7], $0x80, s5, s7, $0xb8;
	[tilespmem:$0x10400] =	vst v63  }
0x14: {  	s11 =	simm.s32 $0x4400  }
0x15: {  	[tilespmem:s11], [sflag:$0x2] =	stream.indirect.gather [hbm4b:s6+s7], $0x80, s7, s7, $0xb8;
	[tilespmem:$0x10400] =	vst v63  }
0x16: {  	s12 =	simm.s32 $0x280;
	s13 =	simm.s32 $0xC400;
	s14 =	simm.s32 $0x1  }
0x17: {  	[tilespmem:s13], [sflag:$0x4] =	stream.indirect.gather [hbm4b:s9+s7], $0x80, s12, s7, $0xb8;
	[tilespmem:$0x10400] =	vst v63  }
0x18: {  	_ =	swait.ge [sflag:s14], $0x4000  }
0x19: {  	s29 =	sadd.s32 $0x462800, s17;
	s1 =	sshll.u32 s1, $0x4;
	[sflag:s14] =	ssyncset.done $0x0  }
0x1a: {  	s15 =	sadd.s32 s29, s1;
	[sflag:s14] =	ssyncadd.s32 $0xFFFFC000  }
0x1b: {  	[hbm4b:s15+s2] =	stream.linear.scatter [tilespmem:s8], [sflag:$0x5], $0x4000, $0x38;
	[tilespmem:$0x10400] =	vst v63  }
0x1c: {  	_ =	swait.ge [sflag:s3], $0x4000  }
0x1d: {  	[sflag:s3] =	ssyncset.done $0x0  }
0x1e: {  	s16 =	simm.s32 $0x3;
	[sflag:s3] =	ssyncadd.s32 $0xFFFFC000  }
0x1f: {  	_ =	swait.ge [sflag:s16], $0x4000  }
0x20: {  	s31 =	sadd.s32 $0x4A2800, s17;
	[sflag:s16] =	ssyncset.done $0x0  }
0x21: {  	s17 =	sadd.s32 s31, s1;
	[sflag:s16] =	ssyncadd.s32 $0xFFFFC000  }
0x22: {  	[hbm4b:s17+s2] =	stream.linear.scatter [tilespmem:s10], [sflag:$0x5], $0x4000, $0x38;
	[tilespmem:$0x10400] =	vst v63  }
0x23: {  	_ =	swait.ge [sflag:s3], $0x4000  }
0x24: {  	[sflag:s3] =	ssyncset.done $0x0  }
0x25: {  	s18 =	simm.s32 $0x100;
	[sflag:s3] =	ssyncadd.s32 $0xFFFFC000  }
0x26: {  	[tilespmem:s8], [sflag:$0x1] =	stream.indirect.gather [hbm4b:s6+s7], $0x80, s18, s7, $0xb8;
	[tilespmem:$0x10400] =	vst v63  }
0x27: {  	s19 =	simm.s32 $0x300;
	s20 =	simm.s32 $0x2  }
0x28: {  	[tilespmem:s10], [sflag:$0x3] =	stream.indirect.gather [hbm4b:s9+s7], $0x80, s19, s7, $0xb8;
	[tilespmem:$0x10400] =	vst v63  }
0x29: {  	_ =	swait.ge [sflag:s20], $0x4000  }
0x2a: {  	s23 =	sor.u32 $0x800, s1;
	[sflag:s20] =	ssyncset.done $0x0  }
0x2b: {  	s21 =	sadd.s32 s29, s23;
	[sflag:s20] =	ssyncadd.s32 $0xFFFFC000  }
0x2c: {  	[hbm4b:s21+s2] =	stream.linear.scatter [tilespmem:s11], [sflag:$0x5], $0x4000, $0x38;
	[tilespmem:$0x10400] =	vst v63  }
0x2d: {  	_ =	swait.ge [sflag:s3], $0x4000  }
0x2e: {  	[sflag:s3] =	ssyncset.done $0x0  }
0x2f: {  	s22 =	simm.s32 $0x4;
	[sflag:s3] =	ssyncadd.s32 $0xFFFFC000  }
0x30: {  	_ =	swait.ge [sflag:s22], $0x4000  }
0x31: {  	[sflag:s22] =	ssyncset.done $0x0  }
0x32: {  	s23 =	sadd.s32 s31, s23;
	[sflag:s22] =	ssyncadd.s32 $0xFFFFC000  }
0x33: {  	[hbm4b:s23+s2] =	stream.linear.scatter [tilespmem:s13], [sflag:$0x5], $0x4000, $0x38;
	[tilespmem:$0x10400] =	vst v63  }
0x34: {  	_ =	swait.ge [sflag:s3], $0x4000  }
0x35: {  	[sflag:s3] =	ssyncset.done $0x0  }
0x36: {  	s24 =	simm.s32 $0x180;
	[sflag:s3] =	ssyncadd.s32 $0xFFFFC000  }
0x37: {  	[tilespmem:s11], [sflag:$0x2] =	stream.indirect.gather [hbm4b:s6+s7], $0x80, s24, s7, $0xb8;
	[tilespmem:$0x10400] =	vst v63  }
0x38: {  	s25 =	simm.s32 $0x380  }
0x39: {  	[tilespmem:s13], [sflag:$0x4] =	stream.indirect.gather [hbm4b:s9+s7], $0x80, s25, s7, $0xb8;
	[tilespmem:$0x10400] =	vst v63  }
0x3a: {  	_ =	swait.ge [sflag:s14], $0x4000  }
0x3b: {  	s28 =	sor.u32 $0x1000, s1;
	[sflag:s14] =	ssyncset.done $0x0  }
0x3c: {  	s26 =	sadd.s32 s29, s28;
	[sflag:s14] =	ssyncadd.s32 $0xFFFFC000  }
0x3d: {  	[hbm4b:s26+s2] =	stream.linear.scatter [tilespmem:s8], [sflag:$0x5], $0x4000, $0x38;
	[tilespmem:$0x10400] =	vst v63  }
0x3e: {  	_ =	swait.ge [sflag:s3], $0x4000  }
0x3f: {  	[sflag:s3] =	ssyncset.done $0x0  }
0x40: {  	[sflag:s3] =	ssyncadd.s32 $0xFFFFC000  }
0x41: {  	_ =	swait.ge [sflag:s16], $0x4000  }
0x42: {  	[sflag:s16] =	ssyncset.done $0x0  }
0x43: {  	s28 =	sadd.s32 s31, s28;
	[sflag:s16] =	ssyncadd.s32 $0xFFFFC000  }
0x44: {  	[hbm4b:s28+s2] =	stream.linear.scatter [tilespmem:s10], [sflag:$0x5], $0x4000, $0x38;
	[tilespmem:$0x10400] =	vst v63  }
0x45: {  	_ =	swait.ge [sflag:s3], $0x4000  }
0x46: {  	[sflag:s3] =	ssyncset.done $0x0  }
0x47: {  	[sflag:s3] =	ssyncadd.s32 $0xFFFFC000  }
0x48: {  	_ =	swait.ge [sflag:s20], $0x4000  }
0x49: {  	s30 =	ssub.s32 $0x2, s30;
	s1 =	sor.u32 $0x1800, s1;
	[sflag:s20] =	ssyncset.done $0x0  }
0x4a: {  	s0 =	sshrl.u32 s30, $0x1;
	s29 =	sadd.s32 s29, s1;
	[sflag:s20] =	ssyncadd.s32 $0xFFFFC000  }
0x4b: {  	[hbm4b:s29+s2] =	stream.linear.scatter [tilespmem:s11], [sflag:$0x5], $0x4000, $0x38;
	[tilespmem:$0x10400] =	vst v63  }
0x4c: {  	s0 =	ssub.s32 s30, s0;
	_ =	swait.ge [sflag:s3], $0x4000  }
0x4d: {  	s0 =	smax.u32 s0, $0x1;
	[sflag:s3] =	ssyncset.done $0x0  }
0x4e: {  	p0 =	sne.s32 s0, $0x1;
	[sflag:s3] =	ssyncadd.s32 $0xFFFFC000  }
.Ltmp0:
0x4f: {  	_ =	swait.ge [sflag:s22], $0x4000;
	(pc) =	sbr.rel @!p0 .LBB2_2-.Ltmp0, $4  }
0x50: {  	[sflag:s22] =	ssyncset.done $0x0  }
0x51: {  	s30 =	sadd.s32 s31, s1;
	[sflag:s22] =	ssyncadd.s32 $0xFFFFC000  }
0x52: {  	[hbm4b:s30+s2] =	stream.linear.scatter [tilespmem:s13], [sflag:$0x5], $0x4000, $0x38;
	[tilespmem:$0x10400] =	vst v63  }
0x53: {  	s31 =	sadd.s32 $0xFFFFFFFF, s0;
	_ =	swait.ge [sflag:s3], $0x4000  }
.LBB2_1:
0x54: {  	[sflag:s3] =	ssyncset.done $0x0  }
0x55: {  	s0 =	rddreg [dreg:$0x3];
	[sflag:s3] =	ssyncadd.s32 $0xFFFFC000  }
0x56: {  	[tilespmem:s2], [sflag:$0x5] =	stream.linear.gather [hbm4b:s0+s2], $0x200, $0x38;
	[tilespmem:$0x10400] =	vst v63  }
0x57: {  	_ =	swait.ge [sflag:s3], $0x200  }
0x58: {  	[sflag:s3] =	ssyncset.done $0x0  }
0x59: {  	[sflag:s3] =	ssyncadd.s32 $0xFFFFFE00  }
0x5a: {  	[tilespmem:s5], [sflag:$0x5] =	stream.linear.gather [hbm4b:s4+s2], $0x200, $0x38;
	[tilespmem:$0x10400] =	vst v63  }
0x5b: {  	_ =	swait.ge [sflag:s3], $0x200  }
0x5c: {  	[sflag:s3] =	ssyncset.done $0x0  }
0x5d: {  	[sflag:s3] =	ssyncadd.s32 $0xFFFFFE00  }
0x5e: {  	[tilespmem:s8], [sflag:$0x1] =	stream.indirect.gather [hbm4b:s6+s7], $0x80, s2, s7, $0xb8;
	[tilespmem:$0x10400] =	vst v63  }
0x5f: {  	_ = 	snop  }
0x60: {  	[tilespmem:s10], [sflag:$0x3] =	stream.indirect.gather [hbm4b:s9+s7], $0x80, s5, s7, $0xb8;
	[tilespmem:$0x10400] =	vst v63  }
0x61: {  	_ = 	snop  }
0x62: {  	[tilespmem:s11], [sflag:$0x2] =	stream.indirect.gather [hbm4b:s6+s7], $0x80, s7, s7, $0xb8;
	[tilespmem:$0x10400] =	vst v63  }
0x63: {  	_ = 	snop  }
0x64: {  	[tilespmem:s13], [sflag:$0x4] =	stream.indirect.gather [hbm4b:s9+s7], $0x80, s12, s7, $0xb8;
	[tilespmem:$0x10400] =	vst v63  }
0x65: {  	_ =	swait.ge [sflag:s14], $0x4000  }
0x66: {  	[sflag:s14] =	ssyncset.done $0x0  }
0x67: {  	[sflag:s14] =	ssyncadd.s32 $0xFFFFC000  }
0x68: {  	[hbm4b:s15+s2] =	stream.linear.scatter [tilespmem:s8], [sflag:$0x5], $0x4000, $0x38;
	[tilespmem:$0x10400] =	vst v63  }
0x69: {  	_ =	swait.ge [sflag:s3], $0x4000  }
0x6a: {  	[sflag:s3] =	ssyncset.done $0x0  }
0x6b: {  	[sflag:s3] =	ssyncadd.s32 $0xFFFFC000  }
0x6c: {  	_ =	swait.ge [sflag:s16], $0x4000  }
0x6d: {  	[sflag:s16] =	ssyncset.done $0x0  }
0x6e: {  	[sflag:s16] =	ssyncadd.s32 $0xFFFFC000  }
0x6f: {  	[hbm4b:s17+s2] =	stream.linear.scatter [tilespmem:s10], [sflag:$0x5], $0x4000, $0x38;
	[tilespmem:$0x10400] =	vst v63  }
0x70: {  	_ =	swait.ge [sflag:s3], $0x4000  }
0x71: {  	[sflag:s3] =	ssyncset.done $0x0  }
0x72: {  	[sflag:s3] =	ssyncadd.s32 $0xFFFFC000  }
0x73: {  	[tilespmem:s8], [sflag:$0x1] =	stream.indirect.gather [hbm4b:s6+s7], $0x80, s18, s7, $0xb8;
	[tilespmem:$0x10400] =	vst v63  }
0x74: {  	_ = 	snop  }
0x75: {  	[tilespmem:s10], [sflag:$0x3] =	stream.indirect.gather [hbm4b:s9+s7], $0x80, s19, s7, $0xb8;
	[tilespmem:$0x10400] =	vst v63  }
0x76: {  	_ =	swait.ge [sflag:s20], $0x4000  }
0x77: {  	[sflag:s20] =	ssyncset.done $0x0  }
0x78: {  	[sflag:s20] =	ssyncadd.s32 $0xFFFFC000  }
0x79: {  	[hbm4b:s21+s2] =	stream.linear.scatter [tilespmem:s11], [sflag:$0x5], $0x4000, $0x38;
	[tilespmem:$0x10400] =	vst v63  }
0x7a: {  	_ =	swait.ge [sflag:s3], $0x4000  }
0x7b: {  	[sflag:s3] =	ssyncset.done $0x0  }
0x7c: {  	[sflag:s3] =	ssyncadd.s32 $0xFFFFC000  }
0x7d: {  	_ =	swait.ge [sflag:s22], $0x4000  }
0x7e: {  	[sflag:s22] =	ssyncset.done $0x0  }
0x7f: {  	[sflag:s22] =	ssyncadd.s32 $0xFFFFC000  }
0x80: {  	[hbm4b:s23+s2] =	stream.linear.scatter [tilespmem:s13], [sflag:$0x5], $0x4000, $0x38;
	[tilespmem:$0x10400] =	vst v63  }
0x81: {  	_ =	swait.ge [sflag:s3], $0x4000  }
0x82: {  	[sflag:s3] =	ssyncset.done $0x0  }
0x83: {  	[sflag:s3] =	ssyncadd.s32 $0xFFFFC000  }
0x84: {  	[tilespmem:s11], [sflag:$0x2] =	stream.indirect.gather [hbm4b:s6+s7], $0x80, s24, s7, $0xb8;
	[tilespmem:$0x10400] =	vst v63  }
0x85: {  	_ = 	snop  }
0x86: {  	[tilespmem:s13], [sflag:$0x4] =	stream.indirect.gather [hbm4b:s9+s7], $0x80, s25, s7, $0xb8;
	[tilespmem:$0x10400] =	vst v63  }
0x87: {  	_ =	swait.ge [sflag:s14], $0x4000  }
0x88: {  	[sflag:s14] =	ssyncset.done $0x0  }
0x89: {  	[sflag:s14] =	ssyncadd.s32 $0xFFFFC000  }
0x8a: {  	[hbm4b:s26+s2] =	stream.linear.scatter [tilespmem:s8], [sflag:$0x5], $0x4000, $0x38;
	[tilespmem:$0x10400] =	vst v63  }
0x8b: {  	_ =	swait.ge [sflag:s3], $0x4000  }
0x8c: {  	[sflag:s3] =	ssyncset.done $0x0  }
0x8d: {  	[sflag:s3] =	ssyncadd.s32 $0xFFFFC000  }
0x8e: {  	_ =	swait.ge [sflag:s16], $0x4000  }
0x8f: {  	[sflag:s16] =	ssyncset.done $0x0  }
0x90: {  	[sflag:s16] =	ssyncadd.s32 $0xFFFFC000  }
0x91: {  	[hbm4b:s28+s2] =	stream.linear.scatter [tilespmem:s10], [sflag:$0x5], $0x4000, $0x38;
	[tilespmem:$0x10400] =	vst v63  }
0x92: {  	_ =	swait.ge [sflag:s3], $0x4000  }
0x93: {  	[sflag:s3] =	ssyncset.done $0x0  }
0x94: {  	[sflag:s3] =	ssyncadd.s32 $0xFFFFC000  }
0x95: {  	_ =	swait.ge [sflag:s20], $0x4000  }
0x96: {  	[sflag:s20] =	ssyncset.done $0x0  }
0x97: {  	[sflag:s20] =	ssyncadd.s32 $0xFFFFC000  }
0x98: {  	[hbm4b:s29+s2] =	stream.linear.scatter [tilespmem:s11], [sflag:$0x5], $0x4000, $0x38;
	[tilespmem:$0x10400] =	vst v63  }
0x99: {  	_ =	swait.ge [sflag:s3], $0x4000  }
0x9a: {  	[sflag:s3] =	ssyncset.done $0x0  }
0x9b: {  	p0 =	sne.s32 s31, $0x1;
	[sflag:s3] =	ssyncadd.s32 $0xFFFFC000  }
.Ltmp1:
0x9c: {  	_ =	swait.ge [sflag:s22], $0x4000;
	(pc) =	sbr.rel @p0 .LBB2_1-.Ltmp1, $4  }
0x9d: {  	[sflag:s22] =	ssyncset.done $0x0  }
0x9e: {  	[sflag:s22] =	ssyncadd.s32 $0xFFFFC000  }
0x9f: {  	[hbm4b:s30+s2] =	stream.linear.scatter [tilespmem:s13], [sflag:$0x5], $0x4000, $0x38;
	[tilespmem:$0x10400] =	vst v63  }
0xa0: {  	s31 =	sadd.s32 $0xFFFFFFFF, s31;
	_ =	swait.ge [sflag:s3], $0x4000  }
.LBB2_2:
0xa1: {  	[sflag:s3] =	ssyncset.done $0x0  }
0xa2: {  	[sflag:s3] =	ssyncadd.s32 $0xFFFFC000  }
0xa3: {  	_ =	sfence.sel $0x180000  }
0xa4: {  	[bflag:$0x0] =	sbarrier.arrive $0xFFFF  }
0xa5: {  	_ =	strace $0x90000047  }
0xa6: {  	s0 =	stileid.u32;
	[bflag:$0x2] =	sbarrier.arrive $0xFFFF  }
0xa7: {  	p0 =	sne.s32 s0, $0x0;
	s0 =	rddreg [dreg:$0x2]  }
0xa8: {  	s0 =	sadd.s32 @!p0 $0x100000, s0  }
0xa9: {  	[sflag:s0] =	ssyncadd.tile.s32 @!p0 $0x1;
	_ =	shalt  }
.Lfunc_end2:
_tile_overlayer_lowered:
.L_overlay_start_2:
0xaa: {  	(tag) =	ssettag $0x2  }
0xab: {  	s0 =	rddreg [dreg:$0x0];
	s2 =	stileid.u32  }
0xac: {  	s1 =	rddreg [dreg:$0x1];
	p0 =	sne.s32 s2, $0x0  }
0xad: {  	s3 =	rddreg [dreg:$0x2];
	[bflag:$0x3] =	sbarrier.arrive $0xFFFF;
	s2 =	simm.s32 @!p0 $0x1C05  }
0xae: {  	[timem:s3], [sflag:s2] =	dma.local @!p0 [hbm:s0], s1  }
0xaf: {  	s0 =	simm.s32 @!p0 $0x5  }
0xb0: {  	_ =	swait.ge @!p0 [sflag:s0], s1  }
0xb1: {  	s1 =	ssub.s32 @!p0 $0x0, s1;
	[sflag:s0] =	ssyncset.done @!p0 $0x0  }
0xb2: {  	[sflag:s0] =	ssyncadd.s32 @!p0 s1  }
0xb3: {  	[bflag:$0x3] =	sbarrier.arrive $0xFFFF  }
0xb4: {  	_ =	shalt  }

</sc_bundles>
